<compile_context>
chip_gen: v7x
topology: tpu7x:2x2x1
jax: 0.10.2.dev20260603
libtpu: 0.0.44.dev20260713+nightly
codegen_flags: <defaults>
</compile_context>

<pallas_src>
import functools

import jax
import jax.numpy as jnp
from jax import lax
from jax.experimental import pallas as pl
from jax.experimental.pallas import tpu as pltpu
from jax.experimental.pallas import tpu_sc as plsc

N = 10000
E = 320000
DIN = 128
DH = 97
DP = 128
NP = 10240
NC = 2
NS = 16
NW = NC * NS
K = 128
NCHUNK = 80
EPAD = NW * NCHUNK * K
SR = NP // NS
RB = 1280

_mesh = plsc.VectorSubcoreMesh(core_axis_name="c", subcore_axis_name="s")


@functools.partial(
    pl.kernel,
    mesh=_mesh,
    out_type=jax.ShapeDtypeStruct((NW, NP), jnp.float32),
    scratch_types=[
        pltpu.VMEM((NCHUNK, K), jnp.int32),
        pltpu.VMEM((NP,), jnp.float32),
    ],
    compiler_params=pltpu.CompilerParams(needs_layout_passes=False),
)
def _deg_kernel(dst_hbm, out_hbm, dst_v, deg_v):
    c = lax.axis_index("c")
    s = lax.axis_index("s")
    wid = c * NS + s
    pltpu.sync_copy(dst_hbm.at[wid], dst_v)

    zero16 = jnp.zeros((16,), jnp.float32)

    def _zero(i, carry):
        deg_v[pl.ds(i * 16, 16)] = zero16
        return carry

    lax.fori_loop(0, NP // 16, _zero, 0)

    ones16 = jnp.ones((16,), jnp.float32)

    def _count(i, carry):
        j = i // (K // 16)
        l = i % (K // 16)
        idx = dst_v[j, pl.ds(l * 16, 16)]
        plsc.addupdate_scatter(deg_v, [idx], ones16)
        return carry

    lax.fori_loop(0, NCHUNK * (K // 16), _count, 0)

    pltpu.sync_copy(deg_v, out_hbm.at[wid])


@functools.partial(
    pl.kernel,
    mesh=_mesh,
    out_type=jax.ShapeDtypeStruct((NC, NP, DP), jnp.float32),
    scratch_types=[
        pltpu.VMEM((NCHUNK, K), jnp.int32),
        pltpu.VMEM((NCHUNK, K), jnp.int32),
        pltpu.VMEM((K, DP), jnp.float32),
        pltpu.VMEM_SHARED((NP, DP), jnp.float32),
        pltpu.SemaphoreType.DMA,
        pltpu.SemaphoreType.DMA,
    ],
)
def _agg_kernel(g_hbm, src_hbm, dst_hbm, zrows_hbm,
                out_hbm, src_v, dst_v, rows_v, acc, gsem, ssem):
    c = lax.axis_index("c")
    s = lax.axis_index("s")
    wid = c * NS + s

    pltpu.sync_copy(src_hbm.at[wid], src_v)
    pltpu.sync_copy(dst_hbm.at[wid], dst_v)
    pltpu.sync_copy(zrows_hbm, acc.at[pl.ds(s * SR, SR)])
    plsc.subcore_barrier()

    def _chunk(j, carry):
        pltpu.async_copy(g_hbm.at[src_v.at[j]], rows_v, gsem).wait()
        pltpu.async_copy(rows_v, acc.at[dst_v.at[j]], ssem, add=True).wait()
        return carry

    lax.fori_loop(0, NCHUNK, _chunk, 0)
    plsc.subcore_barrier()

    pltpu.sync_copy(acc.at[pl.ds(s * SR, SR)],
                    out_hbm.at[c, pl.ds(s * SR, SR)])


def _tc_a_body(x_ref, w_ref, dpt_ref, g_ref):
    deg = jnp.sum(dpt_ref[...], axis=1, keepdims=True) + 1.0
    dinv = lax.rsqrt(deg)
    g_ref[...] = jnp.dot(x_ref[...], w_ref[...],
                         preferred_element_type=jnp.float32) * dinv


def _tc_b_body(g1_ref, sa_ref, sb_ref, dpt_ref, w2_ref, b1_ref, g2_ref):
    deg = jnp.sum(dpt_ref[...], axis=1, keepdims=True) + 1.0
    dinv = lax.rsqrt(deg)
    a = (sa_ref[...] + sb_ref[...] + g1_ref[...]) * dinv + b1_ref[...]
    r = jnp.maximum(a, 0.0)
    g2_ref[...] = jnp.dot(r, w2_ref[...],
                          preferred_element_type=jnp.float32) * dinv


def _tc_c_body(g2_ref, sa_ref, sb_ref, dpt_ref, b2_ref, o_ref):
    deg = jnp.sum(dpt_ref[...], axis=1, keepdims=True) + 1.0
    dinv = lax.rsqrt(deg)
    o_ref[...] = (sa_ref[...] + sb_ref[...] + g2_ref[...]) * dinv + b2_ref[...]


def kernel(x, edge_index, W1, b1, W2, b2):
    ei = edge_index.astype(jnp.int32)
    pad_src = jnp.full((EPAD - E,), N, jnp.int32)
    pad_dst = N + jnp.arange(EPAD - E, dtype=jnp.int32) % (NP - N)
    src3 = jnp.concatenate([ei[0], pad_src]).reshape(NW, NCHUNK, K)
    dst3 = jnp.concatenate([ei[1], pad_dst]).reshape(NW, NCHUNK, K)

    xp = jnp.zeros((NP, DIN), jnp.float32).at[:N].set(x)
    W1p = jnp.pad(W1, ((0, 0), (0, DP - DH)))
    W2p = jnp.pad(W2, ((0, DP - DH), (0, DP - DH)))
    b1p = jnp.pad(b1, (0, DP - DH)).reshape(1, DP)
    b2p = jnp.pad(b2, (0, DP - DH)).reshape(1, DP)
    zrows = jnp.zeros((SR, DP), jnp.float32)

    deg_parts = _deg_kernel(dst3)
    dpt = deg_parts.T

    grid = (NP // RB,)
    g1 = pl.pallas_call(
        _tc_a_body,
        grid=grid,
        in_specs=[
            pl.BlockSpec((RB, DIN), lambda i: (i, 0)),
            pl.BlockSpec((DIN, DP), lambda i: (0, 0)),
            pl.BlockSpec((RB, NW), lambda i: (i, 0)),
        ],
        out_specs=pl.BlockSpec((RB, DP), lambda i: (i, 0)),
        out_shape=jax.ShapeDtypeStruct((NP, DP), jnp.float32),
    )(xp, W1p, dpt)

    s1 = _agg_kernel(g1, src3, dst3, zrows)

    g2 = pl.pallas_call(
        _tc_b_body,
        grid=grid,
        in_specs=[
            pl.BlockSpec((RB, DP), lambda i: (i, 0)),
            pl.BlockSpec((RB, DP), lambda i: (i, 0)),
            pl.BlockSpec((RB, DP), lambda i: (i, 0)),
            pl.BlockSpec((RB, NW), lambda i: (i, 0)),
            pl.BlockSpec((DP, DP), lambda i: (0, 0)),
            pl.BlockSpec((1, DP), lambda i: (0, 0)),
        ],
        out_specs=pl.BlockSpec((RB, DP), lambda i: (i, 0)),
        out_shape=jax.ShapeDtypeStruct((NP, DP), jnp.float32),
    )(g1, s1[0], s1[1], dpt, W2p, b1p)

    s2 = _agg_kernel(g2, src3, dst3, zrows)

    outp = pl.pallas_call(
        _tc_c_body,
        grid=grid,
        in_specs=[
            pl.BlockSpec((RB, DP), lambda i: (i, 0)),
            pl.BlockSpec((RB, DP), lambda i: (i, 0)),
            pl.BlockSpec((RB, DP), lambda i: (i, 0)),
            pl.BlockSpec((RB, NW), lambda i: (i, 0)),
            pl.BlockSpec((1, DP), lambda i: (0, 0)),
        ],
        out_specs=pl.BlockSpec((RB, DP), lambda i: (i, 0)),
        out_shape=jax.ShapeDtypeStruct((NP, DP), jnp.float32),
    )(g2, s2[0], s2[1], dpt, b2p)

    return outp[:N, :DH]

# --- scband reference (transcript-rebuilt; emitter-appended) ---
"""Pipeline reference for scband-graph-model-39230231281829 (READ-ONLY COPY).

The authoritative reference and input builder live on the scoring server;
editing this copy changes nothing except your own understanding.
"""

import jax, jax.numpy as jnp
import numpy as np

N_NODES = 10000
N_EDGES = 320000
D_IN = 128
D_HID = 97


def _gcn_conv(x, edge_index, W, b, n_nodes):
    # Faithful GCNConv (PyG semantics): add self-loops, symmetric normalization,
    # linear transform, scatter-add aggregation, bias.
    src = edge_index[0]
    dst = edge_index[1]
    loop = jnp.arange(n_nodes, dtype=edge_index.dtype)
    src = jnp.concatenate([src, loop])
    dst = jnp.concatenate([dst, loop])
    # x @ W (PyG stores weight as (in, out) applied as x @ W)
    h = x @ W
    deg = jax.ops.segment_sum(jnp.ones_like(dst, dtype=h.dtype), dst, num_segments=n_nodes)
    deg_inv_sqrt = jnp.where(deg > 0, jax.lax.rsqrt(jnp.maximum(deg, 1e-12)), 0.0)
    norm = deg_inv_sqrt[src] * deg_inv_sqrt[dst]
    msg = h[src] * norm[:, None]
    out = jax.ops.segment_sum(msg, dst, num_segments=n_nodes)
    return out + b


def setup_inputs(seed: int = 0) -> dict:
    key = jax.random.key(seed)
    k1, k2, k3, k4, k5 = jax.random.split(key, 5)
    x = jax.random.normal(k1, (N_NODES, D_IN), dtype=jnp.float32)
    edge_index = jax.random.randint(k2, (2, N_EDGES), 0, N_NODES, dtype=jnp.int64)
    # Glorot-style init for GCN weights, zeros for biases (PyG default)
    s1 = float(np.sqrt(6.0 / (D_IN + D_HID)))
    s2 = float(np.sqrt(6.0 / (D_HID + D_HID)))
    W1 = jax.random.uniform(k3, (D_IN, D_HID), dtype=jnp.float32, minval=-s1, maxval=s1)
    W2 = jax.random.uniform(k4, (D_HID, D_HID), dtype=jnp.float32, minval=-s2, maxval=s2)
    b1 = jnp.zeros((D_HID,), dtype=jnp.float32)
    b2 = jnp.zeros((D_HID,), dtype=jnp.float32)
    return {"x": x, "edge_index": edge_index, "W1": W1, "b1": b1, "W2": W2, "b2": b2}


def reference(x, edge_index, W1, b1, W2, b2):
    n_nodes = x.shape[0]
    h = _gcn_conv(x, edge_index, W1, b1, n_nodes)
    h = jax.nn.relu(h)
    out = _gcn_conv(h, edge_index, W2, b2, n_nodes)
    return out

if __name__ == "__main__":
    import jax
    _d = setup_inputs()
    print(jax.jit(kernel)(*tuple(_d.values())))

</pallas_src>

<mosaic_0001>
#map = affine_map<(d0, d1) -> (0, 0)>
#map1 = affine_map<(d0, d1) -> (0, 0, 0)>
module attributes {stable_mosaic.version = 14 : i64} {
  func.func @_agg_kernel(%arg0: i32, %arg1: i32, %arg2: memref<10240x128xf32, #tpu.memory_space<hbm>>, %arg3: memref<32x80x128xi32, #tpu.memory_space<hbm>>, %arg4: memref<32x80x128xi32, #tpu.memory_space<hbm>>, %arg5: memref<640x128xf32, #tpu.memory_space<hbm>>, %arg6: memref<2x10240x128xf32, #tpu.memory_space<hbm>>, %arg7: memref<80x128xi32, #tpu.memory_space<vmem>>, %arg8: memref<80x128xi32, #tpu.memory_space<vmem>>, %arg9: memref<128x128xf32, #tpu.memory_space<vmem>>, %arg10: memref<10240x128xf32, #tpu.memory_space<vmem_shared>>, %arg11: memref<!tpu.dma_semaphore, #tpu.memory_space<semaphore_mem>>, %arg12: memref<!tpu.dma_semaphore, #tpu.memory_space<semaphore_mem>>) attributes {dimension_semantics = [#tpu.dimension_semantics<core_parallel>, #tpu.dimension_semantics<subcore_parallel>], iteration_bounds = array<i64: 2, 16>, scalar_prefetch = 0 : i64, scratch_operands = 6 : i64, tpu.core_type = #tpu.core_type<sc_vector_subcore>, window_params = [{transform_indices = #map}, {transform_indices = #map1}, {transform_indices = #map1}, {transform_indices = #map}, {transform_indices = #map1}]} {
    %mul3A = arith.constant 16 : i32
    %mul3A_0 = arith.muli %arg0, %mul3A : i32
    %add3A = arith.addi %mul3A_0, %arg1 : i32
    "tpu.region"() ({
      %run_scoped3A = tpu.sem_alloc : memref<!tpu.dma_semaphore, #tpu.memory_space<semaphore_mem>>
      %dma_start3A = arith.constant 0 : i32
      %dma_start3A_13 = arith.constant 0 : i32
      %dma_start3A_14 = tpu.memref_slice %arg3[%add3A, %dma_start3A, %dma_start3A_13] : memref<32x80x128xi32, #tpu.memory_space<hbm>> -> memref<1x80x128xi32, #tpu.memory_space<hbm>>
      %dma_start3A_15 = tpu.memref_squeeze %dma_start3A_14 : memref<1x80x128xi32, #tpu.memory_space<hbm>> -> memref<80x128xi32, #tpu.memory_space<hbm>>
      %dma_start3A_16 = arith.constant 0 : i32
      %dma_start3A_17 = arith.constant 0 : i32
      %dma_start3A_18 = tpu.memref_slice %arg3[%add3A, %dma_start3A_16, %dma_start3A_17] : memref<32x80x128xi32, #tpu.memory_space<hbm>> -> memref<1x80x128xi32, #tpu.memory_space<hbm>>
      %dma_start3A_19 = tpu.memref_squeeze %dma_start3A_18 : memref<1x80x128xi32, #tpu.memory_space<hbm>> -> memref<80x128xi32, #tpu.memory_space<hbm>>
      tpu.enqueue_dma source(%dma_start3A_19 : memref<80x128xi32, #tpu.memory_space<hbm>>) target(%arg7 : memref<80x128xi32, #tpu.memory_space<vmem>>) target_semaphore(%run_scoped3A : memref<!tpu.dma_semaphore, #tpu.memory_space<semaphore_mem>>)
      %dma_wait3A = arith.constant 0 : i32
      %dma_wait3A_20 = arith.constant 0 : i32
      %dma_wait3A_21 = tpu.memref_slice %arg3[%add3A, %dma_wait3A, %dma_wait3A_20] : memref<32x80x128xi32, #tpu.memory_space<hbm>> -> memref<1x80x128xi32, #tpu.memory_space<hbm>>
      %dma_wait3A_22 = tpu.memref_squeeze %dma_wait3A_21 : memref<1x80x128xi32, #tpu.memory_space<hbm>> -> memref<80x128xi32, #tpu.memory_space<hbm>>
      %dma_wait3A_23 = arith.constant 0 : i32
      %dma_wait3A_24 = arith.constant 0 : i32
      %dma_wait3A_25 = tpu.memref_slice %arg3[%add3A, %dma_wait3A_23, %dma_wait3A_24] : memref<32x80x128xi32, #tpu.memory_space<hbm>> -> memref<1x80x128xi32, #tpu.memory_space<hbm>>
      %dma_wait3A_26 = tpu.memref_squeeze %dma_wait3A_25 : memref<1x80x128xi32, #tpu.memory_space<hbm>> -> memref<80x128xi32, #tpu.memory_space<hbm>>
      tpu.wait_dma2 semaphore(%run_scoped3A : memref<!tpu.dma_semaphore, #tpu.memory_space<semaphore_mem>>) src(%dma_wait3A_26 : memref<80x128xi32, #tpu.memory_space<hbm>>) dst(%arg7 : memref<80x128xi32, #tpu.memory_space<vmem>>)
      tpu.yield
    }) : () -> ()
    "tpu.region"() ({
      %run_scoped3A = tpu.sem_alloc : memref<!tpu.dma_semaphore, #tpu.memory_space<semaphore_mem>>
      %dma_start3A = arith.constant 0 : i32
      %dma_start3A_13 = arith.constant 0 : i32
      %dma_start3A_14 = tpu.memref_slice %arg4[%add3A, %dma_start3A, %dma_start3A_13] : memref<32x80x128xi32, #tpu.memory_space<hbm>> -> memref<1x80x128xi32, #tpu.memory_space<hbm>>
      %dma_start3A_15 = tpu.memref_squeeze %dma_start3A_14 : memref<1x80x128xi32, #tpu.memory_space<hbm>> -> memref<80x128xi32, #tpu.memory_space<hbm>>
      %dma_start3A_16 = arith.constant 0 : i32
      %dma_start3A_17 = arith.constant 0 : i32
      %dma_start3A_18 = tpu.memref_slice %arg4[%add3A, %dma_start3A_16, %dma_start3A_17] : memref<32x80x128xi32, #tpu.memory_space<hbm>> -> memref<1x80x128xi32, #tpu.memory_space<hbm>>
      %dma_start3A_19 = tpu.memref_squeeze %dma_start3A_18 : memref<1x80x128xi32, #tpu.memory_space<hbm>> -> memref<80x128xi32, #tpu.memory_space<hbm>>
      tpu.enqueue_dma source(%dma_start3A_19 : memref<80x128xi32, #tpu.memory_space<hbm>>) target(%arg8 : memref<80x128xi32, #tpu.memory_space<vmem>>) target_semaphore(%run_scoped3A : memref<!tpu.dma_semaphore, #tpu.memory_space<semaphore_mem>>)
      %dma_wait3A = arith.constant 0 : i32
      %dma_wait3A_20 = arith.constant 0 : i32
      %dma_wait3A_21 = tpu.memref_slice %arg4[%add3A, %dma_wait3A, %dma_wait3A_20] : memref<32x80x128xi32, #tpu.memory_space<hbm>> -> memref<1x80x128xi32, #tpu.memory_space<hbm>>
      %dma_wait3A_22 = tpu.memref_squeeze %dma_wait3A_21 : memref<1x80x128xi32, #tpu.memory_space<hbm>> -> memref<80x128xi32, #tpu.memory_space<hbm>>
      %dma_wait3A_23 = arith.constant 0 : i32
      %dma_wait3A_24 = arith.constant 0 : i32
      %dma_wait3A_25 = tpu.memref_slice %arg4[%add3A, %dma_wait3A_23, %dma_wait3A_24] : memref<32x80x128xi32, #tpu.memory_space<hbm>> -> memref<1x80x128xi32, #tpu.memory_space<hbm>>
      %dma_wait3A_26 = tpu.memref_squeeze %dma_wait3A_25 : memref<1x80x128xi32, #tpu.memory_space<hbm>> -> memref<80x128xi32, #tpu.memory_space<hbm>>
      tpu.wait_dma2 semaphore(%run_scoped3A : memref<!tpu.dma_semaphore, #tpu.memory_space<semaphore_mem>>) src(%dma_wait3A_26 : memref<80x128xi32, #tpu.memory_space<hbm>>) dst(%arg8 : memref<80x128xi32, #tpu.memory_space<vmem>>)
      tpu.yield
    }) : () -> ()
    %mul3A_1 = arith.constant 640 : i32
    %mul3A_2 = arith.muli %arg1, %mul3A_1 : i32
    "tpu.region"() ({
      %run_scoped3A = tpu.sem_alloc : memref<!tpu.dma_semaphore, #tpu.memory_space<semaphore_mem>>
      %dma_start3A = arith.constant 0 : i32
      %dma_start3A_13 = tpu.memref_slice %arg10[%mul3A_2, %dma_start3A] : memref<10240x128xf32, #tpu.memory_space<vmem_shared>> -> memref<640x128xf32, #tpu.memory_space<vmem_shared>>
      tpu.enqueue_dma source(%arg5 : memref<640x128xf32, #tpu.memory_space<hbm>>) target(%dma_start3A_13 : memref<640x128xf32, #tpu.memory_space<vmem_shared>>) target_semaphore(%run_scoped3A : memref<!tpu.dma_semaphore, #tpu.memory_space<semaphore_mem>>)
      %dma_wait3A = arith.constant 0 : i32
      %dma_wait3A_14 = tpu.memref_slice %arg10[%mul3A_2, %dma_wait3A] : memref<10240x128xf32, #tpu.memory_space<vmem_shared>> -> memref<640x128xf32, #tpu.memory_space<vmem_shared>>
      tpu.wait_dma2 semaphore(%run_scoped3A : memref<!tpu.dma_semaphore, #tpu.memory_space<semaphore_mem>>) src(%arg5 : memref<640x128xf32, #tpu.memory_space<hbm>>) dst(%dma_wait3A_14 : memref<640x128xf32, #tpu.memory_space<vmem_shared>>)
      tpu.yield
    }) : () -> ()
    %barrier3A = arith.constant 0 : index
    tpu.barrier barrier_id(%barrier3A)
    %scan3A = arith.constant 0 : i32
    %scan3A_3 = arith.constant 0 : i32
    %scan3A_4 = arith.constant 80 : i32
    %scan3A_5 = arith.addi %scan3A_3, %scan3A_4 : i32
    %scan3A_6 = arith.constant 1 : i32
    scf.for %scan3A_13 = %scan3A_3 to %scan3A_5 step %scan3A_6  : i32 {
      %dma_start3A = arith.constant 0 : i32
      %dma_start3A_14 = tpu.memref_slice %arg7[%scan3A_13, %dma_start3A] : memref<80x128xi32, #tpu.memory_space<vmem>> -> memref<1x128xi32, #tpu.memory_space<vmem>>
      %dma_start3A_15 = tpu.memref_squeeze %dma_start3A_14 : memref<1x128xi32, #tpu.memory_space<vmem>> -> memref<128xi32, #tpu.memory_space<vmem>>
      %dma_start3A_16 = arith.constant 0 : i32
      %dma_start3A_17 = arith.constant 0 : i32
      %dma_start3A_18 = tpu.memref_slice %arg2[%dma_start3A_16, %dma_start3A_17] : memref<10240x128xf32, #tpu.memory_space<hbm>> -> memref<10240x128xf32, #tpu.memory_space<hbm>>
      tpu.enqueue_indirect_dma source(%dma_start3A_18 : memref<10240x128xf32, #tpu.memory_space<hbm>>) target(%arg9 : memref<128x128xf32, #tpu.memory_space<vmem>>) offsets(%dma_start3A_15 : memref<128xi32, #tpu.memory_space<vmem>>) semaphore(%arg11 : memref<!tpu.dma_semaphore, #tpu.memory_space<semaphore_mem>>)
      %dma_wait3A = arith.constant 0 : i32
      %dma_wait3A_19 = tpu.memref_slice %arg7[%scan3A_13, %dma_wait3A] : memref<80x128xi32, #tpu.memory_space<vmem>> -> memref<1x128xi32, #tpu.memory_space<vmem>>
      %dma_wait3A_20 = tpu.memref_squeeze %dma_wait3A_19 : memref<1x128xi32, #tpu.memory_space<vmem>> -> memref<128xi32, #tpu.memory_space<vmem>>
      %dma_wait3A_21 = arith.constant 0 : i32
      %dma_wait3A_22 = arith.constant 0 : i32
      %dma_wait3A_23 = tpu.memref_slice %arg2[%dma_wait3A_21, %dma_wait3A_22] : memref<10240x128xf32, #tpu.memory_space<hbm>> -> memref<10240x128xf32, #tpu.memory_space<hbm>>
      tpu.wait_indirect_dma semaphore(%arg11 : memref<!tpu.dma_semaphore, #tpu.memory_space<semaphore_mem>>) src(%dma_wait3A_23 : memref<10240x128xf32, #tpu.memory_space<hbm>>) dst(%arg9 : memref<128x128xf32, #tpu.memory_space<vmem>>)
      %dma_start3A_24 = arith.constant 0 : i32
      %dma_start3A_25 = tpu.memref_slice %arg8[%scan3A_13, %dma_start3A_24] : memref<80x128xi32, #tpu.memory_space<vmem>> -> memref<1x128xi32, #tpu.memory_space<vmem>>
      %dma_start3A_26 = tpu.memref_squeeze %dma_start3A_25 : memref<1x128xi32, #tpu.memory_space<vmem>> -> memref<128xi32, #tpu.memory_space<vmem>>
      %dma_start3A_27 = arith.constant 0 : i32
      %dma_start3A_28 = arith.constant 0 : i32
      %dma_start3A_29 = tpu.memref_slice %arg10[%dma_start3A_27, %dma_start3A_28] : memref<10240x128xf32, #tpu.memory_space<vmem_shared>> -> memref<10240x128xf32, #tpu.memory_space<vmem_shared>>
      tpu.enqueue_indirect_dma source(%arg9 : memref<128x128xf32, #tpu.memory_space<vmem>>) target(%dma_start3A_29 : memref<10240x128xf32, #tpu.memory_space<vmem_shared>>) offsets(%dma_start3A_26 : memref<128xi32, #tpu.memory_space<vmem>>) semaphore(%arg12 : memref<!tpu.dma_semaphore, #tpu.memory_space<semaphore_mem>>) {add = true}
      %dma_wait3A_30 = arith.constant 0 : i32
      %dma_wait3A_31 = tpu.memref_slice %arg8[%scan3A_13, %dma_wait3A_30] : memref<80x128xi32, #tpu.memory_space<vmem>> -> memref<1x128xi32, #tpu.memory_space<vmem>>
      %dma_wait3A_32 = tpu.memref_squeeze %dma_wait3A_31 : memref<1x128xi32, #tpu.memory_space<vmem>> -> memref<128xi32, #tpu.memory_space<vmem>>
      %dma_wait3A_33 = arith.constant 0 : i32
      %dma_wait3A_34 = arith.constant 0 : i32
      %dma_wait3A_35 = tpu.memref_slice %arg10[%dma_wait3A_33, %dma_wait3A_34] : memref<10240x128xf32, #tpu.memory_space<vmem_shared>> -> memref<10240x128xf32, #tpu.memory_space<vmem_shared>>
      tpu.wait_indirect_dma semaphore(%arg12 : memref<!tpu.dma_semaphore, #tpu.memory_space<semaphore_mem>>) src(%arg9 : memref<128x128xf32, #tpu.memory_space<vmem>>) dst(%dma_wait3A_35 : memref<10240x128xf32, #tpu.memory_space<vmem_shared>>)
    }
    %scan3A_7 = arith.constant 80 : i32
    %barrier3A_8 = arith.constant 0 : index
    tpu.barrier barrier_id(%barrier3A_8)
    %mul3A_9 = arith.constant 640 : i32
    %mul3A_10 = arith.muli %arg1, %mul3A_9 : i32
    %mul3A_11 = arith.constant 640 : i32
    %mul3A_12 = arith.muli %arg1, %mul3A_11 : i32
    "tpu.region"() ({
      %run_scoped3A = tpu.sem_alloc : memref<!tpu.dma_semaphore, #tpu.memory_space<semaphore_mem>>
      %dma_start3A = arith.constant 0 : i32
      %dma_start3A_13 = tpu.memref_slice %arg6[%arg0, %mul3A_12, %dma_start3A] : memref<2x10240x128xf32, #tpu.memory_space<hbm>> -> memref<1x640x128xf32, #tpu.memory_space<hbm>>
      %dma_start3A_14 = tpu.memref_squeeze %dma_start3A_13 : memref<1x640x128xf32, #tpu.memory_space<hbm>> -> memref<640x128xf32, #tpu.memory_space<hbm>>
      %dma_start3A_15 = arith.constant 0 : i32
      %dma_start3A_16 = tpu.memref_slice %arg10[%mul3A_10, %dma_start3A_15] : memref<10240x128xf32, #tpu.memory_space<vmem_shared>> -> memref<640x128xf32, #tpu.memory_space<vmem_shared>>
      tpu.enqueue_dma source(%dma_start3A_16 : memref<640x128xf32, #tpu.memory_space<vmem_shared>>) target(%dma_start3A_14 : memref<640x128xf32, #tpu.memory_space<hbm>>) target_semaphore(%run_scoped3A : memref<!tpu.dma_semaphore, #tpu.memory_space<semaphore_mem>>)
      %dma_wait3A = arith.constant 0 : i32
      %dma_wait3A_17 = tpu.memref_slice %arg6[%arg0, %mul3A_12, %dma_wait3A] : memref<2x10240x128xf32, #tpu.memory_space<hbm>> -> memref<1x640x128xf32, #tpu.memory_space<hbm>>
      %dma_wait3A_18 = tpu.memref_squeeze %dma_wait3A_17 : memref<1x640x128xf32, #tpu.memory_space<hbm>> -> memref<640x128xf32, #tpu.memory_space<hbm>>
      %dma_wait3A_19 = arith.constant 0 : i32
      %dma_wait3A_20 = tpu.memref_slice %arg10[%mul3A_10, %dma_wait3A_19] : memref<10240x128xf32, #tpu.memory_space<vmem_shared>> -> memref<640x128xf32, #tpu.memory_space<vmem_shared>>
      tpu.wait_dma2 semaphore(%run_scoped3A : memref<!tpu.dma_semaphore, #tpu.memory_space<semaphore_mem>>) src(%dma_wait3A_20 : memref<640x128xf32, #tpu.memory_space<vmem_shared>>) dst(%dma_wait3A_18 : memref<640x128xf32, #tpu.memory_space<hbm>>)
      tpu.yield
    }) : () -> ()
    return
  }
}

#map = affine_map<(d0, d1) -> (0, 0, 0)>
#map1 = affine_map<(d0, d1) -> (0, 0)>
module attributes {stable_mosaic.version = 14 : i64} {
  func.func @_deg_kernel(%arg0: i32, %arg1: i32, %arg2: memref<32x80x128xi32, #tpu.memory_space<hbm>>, %arg3: memref<32x10240xf32, #tpu.memory_space<hbm>>, %arg4: memref<80x128xi32, #tpu.memory_space<vmem>>, %arg5: memref<10240xf32, #tpu.memory_space<vmem>>) attributes {dimension_semantics = [#tpu.dimension_semantics<core_parallel>, #tpu.dimension_semantics<subcore_parallel>], iteration_bounds = array<i64: 2, 16>, scalar_prefetch = 0 : i64, scratch_operands = 2 : i64, tpu.core_type = #tpu.core_type<sc_vector_subcore>, window_params = [{transform_indices = #map}, {transform_indices = #map1}]} {
    %mul3A = arith.constant 16 : i32
    %mul3A_0 = arith.muli %arg0, %mul3A : i32
    %add3A = arith.addi %mul3A_0, %arg1 : i32
    "tpu.region"() ({
      %run_scoped3A = tpu.sem_alloc : memref<!tpu.dma_semaphore, #tpu.memory_space<semaphore_mem>>
      %dma_start3A = arith.constant 0 : i32
      %dma_start3A_15 = arith.constant 0 : i32
      %dma_start3A_16 = tpu.memref_slice %arg2[%add3A, %dma_start3A, %dma_start3A_15] : memref<32x80x128xi32, #tpu.memory_space<hbm>> -> memref<1x80x128xi32, #tpu.memory_space<hbm>>
      %dma_start3A_17 = tpu.memref_squeeze %dma_start3A_16 : memref<1x80x128xi32, #tpu.memory_space<hbm>> -> memref<80x128xi32, #tpu.memory_space<hbm>>
      %dma_start3A_18 = arith.constant 0 : i32
      %dma_start3A_19 = arith.constant 0 : i32
      %dma_start3A_20 = tpu.memref_slice %arg2[%add3A, %dma_start3A_18, %dma_start3A_19] : memref<32x80x128xi32, #tpu.memory_space<hbm>> -> memref<1x80x128xi32, #tpu.memory_space<hbm>>
      %dma_start3A_21 = tpu.memref_squeeze %dma_start3A_20 : memref<1x80x128xi32, #tpu.memory_space<hbm>> -> memref<80x128xi32, #tpu.memory_space<hbm>>
      tpu.enqueue_dma source(%dma_start3A_21 : memref<80x128xi32, #tpu.memory_space<hbm>>) target(%arg4 : memref<80x128xi32, #tpu.memory_space<vmem>>) target_semaphore(%run_scoped3A : memref<!tpu.dma_semaphore, #tpu.memory_space<semaphore_mem>>)
      %dma_wait3A = arith.constant 0 : i32
      %dma_wait3A_22 = arith.constant 0 : i32
      %dma_wait3A_23 = tpu.memref_slice %arg2[%add3A, %dma_wait3A, %dma_wait3A_22] : memref<32x80x128xi32, #tpu.memory_space<hbm>> -> memref<1x80x128xi32, #tpu.memory_space<hbm>>
      %dma_wait3A_24 = tpu.memref_squeeze %dma_wait3A_23 : memref<1x80x128xi32, #tpu.memory_space<hbm>> -> memref<80x128xi32, #tpu.memory_space<hbm>>
      %dma_wait3A_25 = arith.constant 0 : i32
      %dma_wait3A_26 = arith.constant 0 : i32
      %dma_wait3A_27 = tpu.memref_slice %arg2[%add3A, %dma_wait3A_25, %dma_wait3A_26] : memref<32x80x128xi32, #tpu.memory_space<hbm>> -> memref<1x80x128xi32, #tpu.memory_space<hbm>>
      %dma_wait3A_28 = tpu.memref_squeeze %dma_wait3A_27 : memref<1x80x128xi32, #tpu.memory_space<hbm>> -> memref<80x128xi32, #tpu.memory_space<hbm>>
      tpu.wait_dma2 semaphore(%run_scoped3A : memref<!tpu.dma_semaphore, #tpu.memory_space<semaphore_mem>>) src(%dma_wait3A_28 : memref<80x128xi32, #tpu.memory_space<hbm>>) dst(%arg4 : memref<80x128xi32, #tpu.memory_space<vmem>>)
      tpu.yield
    }) : () -> ()
    %broadcast_in_dim3A = arith.constant 0.000000e+00 : f32
    %broadcast_in_dim3A_1 = vector.broadcast %broadcast_in_dim3A : f32 to vector<16xf32>
    %scan3A = arith.constant 0 : i32
    %scan3A_2 = arith.constant 0 : i32
    %scan3A_3 = arith.constant 640 : i32
    %scan3A_4 = arith.addi %scan3A_2, %scan3A_3 : i32
    %scan3A_5 = arith.constant 1 : i32
    scf.for %scan3A_15 = %scan3A_2 to %scan3A_4 step %scan3A_5  : i32 {
      %mul3A_16 = arith.constant 16 : i32
      %mul3A_17 = arith.muli %scan3A_15, %mul3A_16 : i32
      %swap3A = arith.index_cast %mul3A_17 : i32 to index
      %swap3A_18 = tpu.vector_load %arg5[%swap3A] {strides = array<i32>} : memref<10240xf32, #tpu.memory_space<vmem>>, vector<16xf32>,
      tpu.vector_store %arg5[%swap3A], %broadcast_in_dim3A_1 {strides = array<i32>} : memref<10240xf32, #tpu.memory_space<vmem>>, vector<16xf32>,
    }
    %scan3A_6 = arith.constant 640 : i32
    %broadcast_in_dim3A_7 = arith.constant 1.000000e+00 : f32
    %broadcast_in_dim3A_8 = vector.broadcast %broadcast_in_dim3A_7 : f32 to vector<16xf32>
    %scan3A_9 = arith.constant 0 : i32
    %scan3A_10 = arith.constant 0 : i32
    %scan3A_11 = arith.constant 640 : i32
    %scan3A_12 = arith.addi %scan3A_10, %scan3A_11 : i32
    %scan3A_13 = arith.constant 1 : i32
    scf.for %scan3A_15 = %scan3A_10 to %scan3A_12 step %scan3A_13  : i32 {
      %jit3A = arith.constant 8 : i32
      %div3A = arith.divsi %scan3A_15, %jit3A : i32
      %sign3A = arith.constant 0 : i32
      %sign3A_16 = arith.cmpi sgt, %scan3A_15, %sign3A : i32
      %sign3A_17 = arith.extui %sign3A_16 : i1 to i32
      %sign3A_18 = arith.constant 0 : i32
      %sign3A_19 = arith.cmpi slt, %scan3A_15, %sign3A_18 : i32
      %sign3A_20 = arith.extui %sign3A_19 : i1 to i32
      %sign3A_21 = arith.subi %sign3A_17, %sign3A_20 : i32
      %sign3A_22 = arith.constant 0 : i32
      %sign3A_23 = arith.cmpi sgt, %jit3A, %sign3A_22 : i32
      %sign3A_24 = arith.extui %sign3A_23 : i1 to i32
      %sign3A_25 = arith.constant 0 : i32
      %sign3A_26 = arith.cmpi slt, %jit3A, %sign3A_25 : i32
      %sign3A_27 = arith.extui %sign3A_26 : i1 to i32
      %sign3A_28 = arith.subi %sign3A_24, %sign3A_27 : i32
      %ne3A = arith.cmpi ne, %sign3A_21, %sign3A_28 : i32
      %rem3A = arith.remsi %scan3A_15, %jit3A : i32
      %ne3A_29 = arith.constant 0 : i32
      %ne3A_30 = arith.cmpi ne, %rem3A, %ne3A_29 : i32
      %and3A = arith.andi %ne3A, %ne3A_30 : i1
      %sub3A = arith.constant 1 : i32
      %sub3A_31 = arith.subi %div3A, %sub3A : i32
      %select_n3A = arith.select %and3A, %sub3A_31, %div3A : i32
      %jit3A_32 = arith.constant 8 : i32
      %eq3A = arith.constant 0 : i32
      %eq3A_33 = arith.cmpi eq, %jit3A_32, %eq3A : i32
      %jit3A_34 = arith.constant 1 : i32
      %select_n3A_35 = arith.select %eq3A_33, %jit3A_34, %jit3A_32 : i32
      %rem3A_36 = arith.remsi %scan3A_15, %select_n3A_35 : i32
      %ne3A_37 = arith.constant 0 : i32
      %ne3A_38 = arith.cmpi ne, %rem3A_36, %ne3A_37 : i32
      %lt3A = arith.constant 0 : i32
      %lt3A_39 = arith.cmpi slt, %rem3A_36, %lt3A : i32
      %lt3A_40 = arith.constant 0 : i32
      %lt3A_41 = arith.cmpi slt, %select_n3A_35, %lt3A_40 : i32
      %ne3A_42 = arith.xori %lt3A_39, %lt3A_41 : i1
      %and3A_43 = arith.andi %ne3A_42, %ne3A_38 : i1
      %add3A_44 = arith.addi %rem3A_36, %select_n3A_35 : i32
      %select_n3A_45 = arith.select %and3A_43, %add3A_44, %rem3A_36 : i32
      %mul3A_46 = arith.constant 16 : i32
      %mul3A_47 = arith.muli %select_n3A_45, %mul3A_46 : i32
      %get3A = arith.index_cast %select_n3A : i32 to index
      %get3A_48 = arith.index_cast %mul3A_47 : i32 to index
      %get3A_49 = tpu.vector_load %arg4[%get3A, %get3A_48] {strides = array<i32>} : memref<80x128xi32, #tpu.memory_space<vmem>>, vector<16xi32>,
      tpu.vector_store_idx %arg5[%get3A_49], %broadcast_in_dim3A_8 {add = true} : memref<10240xf32, #tpu.memory_space<vmem>>[vector<16xi32>], vector<16xf32>,
    }
    %scan3A_14 = arith.constant 640 : i32
    "tpu.region"() ({
      %run_scoped3A = tpu.sem_alloc : memref<!tpu.dma_semaphore, #tpu.memory_space<semaphore_mem>>
      %dma_start3A = arith.constant 0 : i32
      %dma_start3A_15 = tpu.memref_slice %arg3[%add3A, %dma_start3A] : memref<32x10240xf32, #tpu.memory_space<hbm>> -> memref<1x10240xf32, #tpu.memory_space<hbm>>
      %dma_start3A_16 = tpu.memref_squeeze %dma_start3A_15 : memref<1x10240xf32, #tpu.memory_space<hbm>> -> memref<10240xf32, #tpu.memory_space<hbm>>
      %dma_start3A_17 = arith.constant 0 : i32
      %dma_start3A_18 = tpu.memref_slice %arg3[%add3A, %dma_start3A_17] : memref<32x10240xf32, #tpu.memory_space<hbm>> -> memref<1x10240xf32, #tpu.memory_space<hbm>>
      %dma_start3A_19 = tpu.memref_squeeze %dma_start3A_18 : memref<1x10240xf32, #tpu.memory_space<hbm>> -> memref<10240xf32, #tpu.memory_space<hbm>>
      tpu.enqueue_dma source(%arg5 : memref<10240xf32, #tpu.memory_space<vmem>>) target(%dma_start3A_19 : memref<10240xf32, #tpu.memory_space<hbm>>) target_semaphore(%run_scoped3A : memref<!tpu.dma_semaphore, #tpu.memory_space<semaphore_mem>>)
      %dma_wait3A = arith.constant 0 : i32
      %dma_wait3A_20 = tpu.memref_slice %arg3[%add3A, %dma_wait3A] : memref<32x10240xf32, #tpu.memory_space<hbm>> -> memref<1x10240xf32, #tpu.memory_space<hbm>>
      %dma_wait3A_21 = tpu.memref_squeeze %dma_wait3A_20 : memref<1x10240xf32, #tpu.memory_space<hbm>> -> memref<10240xf32, #tpu.memory_space<hbm>>
      %dma_wait3A_22 = arith.constant 0 : i32
      %dma_wait3A_23 = tpu.memref_slice %arg3[%add3A, %dma_wait3A_22] : memref<32x10240xf32, #tpu.memory_space<hbm>> -> memref<1x10240xf32, #tpu.memory_space<hbm>>
      %dma_wait3A_24 = tpu.memref_squeeze %dma_wait3A_23 : memref<1x10240xf32, #tpu.memory_space<hbm>> -> memref<10240xf32, #tpu.memory_space<hbm>>
      tpu.wait_dma2 semaphore(%run_scoped3A : memref<!tpu.dma_semaphore, #tpu.memory_space<semaphore_mem>>) src(%arg5 : memref<10240xf32, #tpu.memory_space<vmem>>) dst(%dma_wait3A_24 : memref<10240xf32, #tpu.memory_space<hbm>>)
      tpu.yield
    }) : () -> ()
    return
  }
}

#map = affine_map<(d0, d1) -> (0, 0)>
#map1 = affine_map<(d0, d1) -> (0, 0, 0)>
module attributes {stable_mosaic.version = 14 : i64} {
  func.func @_agg_kernel(%arg0: i32, %arg1: i32, %arg2: memref<10240x128xf32, #tpu.memory_space<hbm>>, %arg3: memref<32x80x128xi32, #tpu.memory_space<hbm>>, %arg4: memref<32x80x128xi32, #tpu.memory_space<hbm>>, %arg5: memref<640x128xf32, #tpu.memory_space<hbm>>, %arg6: memref<2x10240x128xf32, #tpu.memory_space<hbm>>, %arg7: memref<80x128xi32, #tpu.memory_space<vmem>>, %arg8: memref<80x128xi32, #tpu.memory_space<vmem>>, %arg9: memref<128x128xf32, #tpu.memory_space<vmem>>, %arg10: memref<10240x128xf32, #tpu.memory_space<vmem_shared>>, %arg11: memref<!tpu.dma_semaphore, #tpu.memory_space<semaphore_mem>>, %arg12: memref<!tpu.dma_semaphore, #tpu.memory_space<semaphore_mem>>) attributes {dimension_semantics = [#tpu.dimension_semantics<core_parallel>, #tpu.dimension_semantics<subcore_parallel>], iteration_bounds = array<i64: 2, 16>, scalar_prefetch = 0 : i64, scratch_operands = 6 : i64, tpu.core_type = #tpu.core_type<sc_vector_subcore>, window_params = [{transform_indices = #map}, {transform_indices = #map1}, {transform_indices = #map1}, {transform_indices = #map}, {transform_indices = #map1}]} {
    %mul3A = arith.constant 16 : i32
    %mul3A_0 = arith.muli %arg0, %mul3A : i32
    %add3A = arith.addi %mul3A_0, %arg1 : i32
    "tpu.region"() ({
      %run_scoped3A = tpu.sem_alloc : memref<!tpu.dma_semaphore, #tpu.memory_space<semaphore_mem>>
      %dma_start3A = arith.constant 0 : i32
      %dma_start3A_13 = arith.constant 0 : i32
      %dma_start3A_14 = tpu.memref_slice %arg3[%add3A, %dma_start3A, %dma_start3A_13] : memref<32x80x128xi32, #tpu.memory_space<hbm>> -> memref<1x80x128xi32, #tpu.memory_space<hbm>>
      %dma_start3A_15 = tpu.memref_squeeze %dma_start3A_14 : memref<1x80x128xi32, #tpu.memory_space<hbm>> -> memref<80x128xi32, #tpu.memory_space<hbm>>
      %dma_start3A_16 = arith.constant 0 : i32
      %dma_start3A_17 = arith.constant 0 : i32
      %dma_start3A_18 = tpu.memref_slice %arg3[%add3A, %dma_start3A_16, %dma_start3A_17] : memref<32x80x128xi32, #tpu.memory_space<hbm>> -> memref<1x80x128xi32, #tpu.memory_space<hbm>>
      %dma_start3A_19 = tpu.memref_squeeze %dma_start3A_18 : memref<1x80x128xi32, #tpu.memory_space<hbm>> -> memref<80x128xi32, #tpu.memory_space<hbm>>
      tpu.enqueue_dma source(%dma_start3A_19 : memref<80x128xi32, #tpu.memory_space<hbm>>) target(%arg7 : memref<80x128xi32, #tpu.memory_space<vmem>>) target_semaphore(%run_scoped3A : memref<!tpu.dma_semaphore, #tpu.memory_space<semaphore_mem>>)
      %dma_wait3A = arith.constant 0 : i32
      %dma_wait3A_20 = arith.constant 0 : i32
      %dma_wait3A_21 = tpu.memref_slice %arg3[%add3A, %dma_wait3A, %dma_wait3A_20] : memref<32x80x128xi32, #tpu.memory_space<hbm>> -> memref<1x80x128xi32, #tpu.memory_space<hbm>>
      %dma_wait3A_22 = tpu.memref_squeeze %dma_wait3A_21 : memref<1x80x128xi32, #tpu.memory_space<hbm>> -> memref<80x128xi32, #tpu.memory_space<hbm>>
      %dma_wait3A_23 = arith.constant 0 : i32
      %dma_wait3A_24 = arith.constant 0 : i32
      %dma_wait3A_25 = tpu.memref_slice %arg3[%add3A, %dma_wait3A_23, %dma_wait3A_24] : memref<32x80x128xi32, #tpu.memory_space<hbm>> -> memref<1x80x128xi32, #tpu.memory_space<hbm>>
      %dma_wait3A_26 = tpu.memref_squeeze %dma_wait3A_25 : memref<1x80x128xi32, #tpu.memory_space<hbm>> -> memref<80x128xi32, #tpu.memory_space<hbm>>
      tpu.wait_dma2 semaphore(%run_scoped3A : memref<!tpu.dma_semaphore, #tpu.memory_space<semaphore_mem>>) src(%dma_wait3A_26 : memref<80x128xi32, #tpu.memory_space<hbm>>) dst(%arg7 : memref<80x128xi32, #tpu.memory_space<vmem>>)
      tpu.yield
    }) : () -> ()
    "tpu.region"() ({
      %run_scoped3A = tpu.sem_alloc : memref<!tpu.dma_semaphore, #tpu.memory_space<semaphore_mem>>
      %dma_start3A = arith.constant 0 : i32
      %dma_start3A_13 = arith.constant 0 : i32
      %dma_start3A_14 = tpu.memref_slice %arg4[%add3A, %dma_start3A, %dma_start3A_13] : memref<32x80x128xi32, #tpu.memory_space<hbm>> -> memref<1x80x128xi32, #tpu.memory_space<hbm>>
      %dma_start3A_15 = tpu.memref_squeeze %dma_start3A_14 : memref<1x80x128xi32, #tpu.memory_space<hbm>> -> memref<80x128xi32, #tpu.memory_space<hbm>>
      %dma_start3A_16 = arith.constant 0 : i32
      %dma_start3A_17 = arith.constant 0 : i32
      %dma_start3A_18 = tpu.memref_slice %arg4[%add3A, %dma_start3A_16, %dma_start3A_17] : memref<32x80x128xi32, #tpu.memory_space<hbm>> -> memref<1x80x128xi32, #tpu.memory_space<hbm>>
      %dma_start3A_19 = tpu.memref_squeeze %dma_start3A_18 : memref<1x80x128xi32, #tpu.memory_space<hbm>> -> memref<80x128xi32, #tpu.memory_space<hbm>>
      tpu.enqueue_dma source(%dma_start3A_19 : memref<80x128xi32, #tpu.memory_space<hbm>>) target(%arg8 : memref<80x128xi32, #tpu.memory_space<vmem>>) target_semaphore(%run_scoped3A : memref<!tpu.dma_semaphore, #tpu.memory_space<semaphore_mem>>)
      %dma_wait3A = arith.constant 0 : i32
      %dma_wait3A_20 = arith.constant 0 : i32
      %dma_wait3A_21 = tpu.memref_slice %arg4[%add3A, %dma_wait3A, %dma_wait3A_20] : memref<32x80x128xi32, #tpu.memory_space<hbm>> -> memref<1x80x128xi32, #tpu.memory_space<hbm>>
      %dma_wait3A_22 = tpu.memref_squeeze %dma_wait3A_21 : memref<1x80x128xi32, #tpu.memory_space<hbm>> -> memref<80x128xi32, #tpu.memory_space<hbm>>
      %dma_wait3A_23 = arith.constant 0 : i32
      %dma_wait3A_24 = arith.constant 0 : i32
      %dma_wait3A_25 = tpu.memref_slice %arg4[%add3A, %dma_wait3A_23, %dma_wait3A_24] : memref<32x80x128xi32, #tpu.memory_space<hbm>> -> memref<1x80x128xi32, #tpu.memory_space<hbm>>
      %dma_wait3A_26 = tpu.memref_squeeze %dma_wait3A_25 : memref<1x80x128xi32, #tpu.memory_space<hbm>> -> memref<80x128xi32, #tpu.memory_space<hbm>>
      tpu.wait_dma2 semaphore(%run_scoped3A : memref<!tpu.dma_semaphore, #tpu.memory_space<semaphore_mem>>) src(%dma_wait3A_26 : memref<80x128xi32, #tpu.memory_space<hbm>>) dst(%arg8 : memref<80x128xi32, #tpu.memory_space<vmem>>)
      tpu.yield
    }) : () -> ()
    %mul3A_1 = arith.constant 640 : i32
    %mul3A_2 = arith.muli %arg1, %mul3A_1 : i32
    "tpu.region"() ({
      %run_scoped3A = tpu.sem_alloc : memref<!tpu.dma_semaphore, #tpu.memory_space<semaphore_mem>>
      %dma_start3A = arith.constant 0 : i32
      %dma_start3A_13 = tpu.memref_slice %arg10[%mul3A_2, %dma_start3A] : memref<10240x128xf32, #tpu.memory_space<vmem_shared>> -> memref<640x128xf32, #tpu.memory_space<vmem_shared>>
      tpu.enqueue_dma source(%arg5 : memref<640x128xf32, #tpu.memory_space<hbm>>) target(%dma_start3A_13 : memref<640x128xf32, #tpu.memory_space<vmem_shared>>) target_semaphore(%run_scoped3A : memref<!tpu.dma_semaphore, #tpu.memory_space<semaphore_mem>>)
      %dma_wait3A = arith.constant 0 : i32
      %dma_wait3A_14 = tpu.memref_slice %arg10[%mul3A_2, %dma_wait3A] : memref<10240x128xf32, #tpu.memory_space<vmem_shared>> -> memref<640x128xf32, #tpu.memory_space<vmem_shared>>
      tpu.wait_dma2 semaphore(%run_scoped3A : memref<!tpu.dma_semaphore, #tpu.memory_space<semaphore_mem>>) src(%arg5 : memref<640x128xf32, #tpu.memory_space<hbm>>) dst(%dma_wait3A_14 : memref<640x128xf32, #tpu.memory_space<vmem_shared>>)
      tpu.yield
    }) : () -> ()
    %barrier3A = arith.constant 0 : index
    tpu.barrier barrier_id(%barrier3A)
    %scan3A = arith.constant 0 : i32
    %scan3A_3 = arith.constant 0 : i32
    %scan3A_4 = arith.constant 80 : i32
    %scan3A_5 = arith.addi %scan3A_3, %scan3A_4 : i32
    %scan3A_6 = arith.constant 1 : i32
    scf.for %scan3A_13 = %scan3A_3 to %scan3A_5 step %scan3A_6  : i32 {
      %dma_start3A = arith.constant 0 : i32
      %dma_start3A_14 = tpu.memref_slice %arg7[%scan3A_13, %dma_start3A] : memref<80x128xi32, #tpu.memory_space<vmem>> -> memref<1x128xi32, #tpu.memory_space<vmem>>
      %dma_start3A_15 = tpu.memref_squeeze %dma_start3A_14 : memref<1x128xi32, #tpu.memory_space<vmem>> -> memref<128xi32, #tpu.memory_space<vmem>>
      %dma_start3A_16 = arith.constant 0 : i32
      %dma_start3A_17 = arith.constant 0 : i32
      %dma_start3A_18 = tpu.memref_slice %arg2[%dma_start3A_16, %dma_start3A_17] : memref<10240x128xf32, #tpu.memory_space<hbm>> -> memref<10240x128xf32, #tpu.memory_space<hbm>>
      tpu.enqueue_indirect_dma source(%dma_start3A_18 : memref<10240x128xf32, #tpu.memory_space<hbm>>) target(%arg9 : memref<128x128xf32, #tpu.memory_space<vmem>>) offsets(%dma_start3A_15 : memref<128xi32, #tpu.memory_space<vmem>>) semaphore(%arg11 : memref<!tpu.dma_semaphore, #tpu.memory_space<semaphore_mem>>)
      %dma_wait3A = arith.constant 0 : i32
      %dma_wait3A_19 = tpu.memref_slice %arg7[%scan3A_13, %dma_wait3A] : memref<80x128xi32, #tpu.memory_space<vmem>> -> memref<1x128xi32, #tpu.memory_space<vmem>>
      %dma_wait3A_20 = tpu.memref_squeeze %dma_wait3A_19 : memref<1x128xi32, #tpu.memory_space<vmem>> -> memref<128xi32, #tpu.memory_space<vmem>>
      %dma_wait3A_21 = arith.constant 0 : i32
      %dma_wait3A_22 = arith.constant 0 : i32
      %dma_wait3A_23 = tpu.memref_slice %arg2[%dma_wait3A_21, %dma_wait3A_22] : memref<10240x128xf32, #tpu.memory_space<hbm>> -> memref<10240x128xf32, #tpu.memory_space<hbm>>
      tpu.wait_indirect_dma semaphore(%arg11 : memref<!tpu.dma_semaphore, #tpu.memory_space<semaphore_mem>>) src(%dma_wait3A_23 : memref<10240x128xf32, #tpu.memory_space<hbm>>) dst(%arg9 : memref<128x128xf32, #tpu.memory_space<vmem>>)
      %dma_start3A_24 = arith.constant 0 : i32
      %dma_start3A_25 = tpu.memref_slice %arg8[%scan3A_13, %dma_start3A_24] : memref<80x128xi32, #tpu.memory_space<vmem>> -> memref<1x128xi32, #tpu.memory_space<vmem>>
      %dma_start3A_26 = tpu.memref_squeeze %dma_start3A_25 : memref<1x128xi32, #tpu.memory_space<vmem>> -> memref<128xi32, #tpu.memory_space<vmem>>
      %dma_start3A_27 = arith.constant 0 : i32
      %dma_start3A_28 = arith.constant 0 : i32
      %dma_start3A_29 = tpu.memref_slice %arg10[%dma_start3A_27, %dma_start3A_28] : memref<10240x128xf32, #tpu.memory_space<vmem_shared>> -> memref<10240x128xf32, #tpu.memory_space<vmem_shared>>
      tpu.enqueue_indirect_dma source(%arg9 : memref<128x128xf32, #tpu.memory_space<vmem>>) target(%dma_start3A_29 : memref<10240x128xf32, #tpu.memory_space<vmem_shared>>) offsets(%dma_start3A_26 : memref<128xi32, #tpu.memory_space<vmem>>) semaphore(%arg12 : memref<!tpu.dma_semaphore, #tpu.memory_space<semaphore_mem>>) {add = true}
      %dma_wait3A_30 = arith.constant 0 : i32
      %dma_wait3A_31 = tpu.memref_slice %arg8[%scan3A_13, %dma_wait3A_30] : memref<80x128xi32, #tpu.memory_space<vmem>> -> memref<1x128xi32, #tpu.memory_space<vmem>>
      %dma_wait3A_32 = tpu.memref_squeeze %dma_wait3A_31 : memref<1x128xi32, #tpu.memory_space<vmem>> -> memref<128xi32, #tpu.memory_space<vmem>>
      %dma_wait3A_33 = arith.constant 0 : i32
      %dma_wait3A_34 = arith.constant 0 : i32
      %dma_wait3A_35 = tpu.memref_slice %arg10[%dma_wait3A_33, %dma_wait3A_34] : memref<10240x128xf32, #tpu.memory_space<vmem_shared>> -> memref<10240x128xf32, #tpu.memory_space<vmem_shared>>
      tpu.wait_indirect_dma semaphore(%arg12 : memref<!tpu.dma_semaphore, #tpu.memory_space<semaphore_mem>>) src(%arg9 : memref<128x128xf32, #tpu.memory_space<vmem>>) dst(%dma_wait3A_35 : memref<10240x128xf32, #tpu.memory_space<vmem_shared>>)
    }
    %scan3A_7 = arith.constant 80 : i32
    %barrier3A_8 = arith.constant 0 : index
    tpu.barrier barrier_id(%barrier3A_8)
    %mul3A_9 = arith.constant 640 : i32
    %mul3A_10 = arith.muli %arg1, %mul3A_9 : i32
    %mul3A_11 = arith.constant 640 : i32
    %mul3A_12 = arith.muli %arg1, %mul3A_11 : i32
    "tpu.region"() ({
      %run_scoped3A = tpu.sem_alloc : memref<!tpu.dma_semaphore, #tpu.memory_space<semaphore_mem>>
      %dma_start3A = arith.constant 0 : i32
      %dma_start3A_13 = tpu.memref_slice %arg6[%arg0, %mul3A_12, %dma_start3A] : memref<2x10240x128xf32, #tpu.memory_space<hbm>> -> memref<1x640x128xf32, #tpu.memory_space<hbm>>
      %dma_start3A_14 = tpu.memref_squeeze %dma_start3A_13 : memref<1x640x128xf32, #tpu.memory_space<hbm>> -> memref<640x128xf32, #tpu.memory_space<hbm>>
      %dma_start3A_15 = arith.constant 0 : i32
      %dma_start3A_16 = tpu.memref_slice %arg10[%mul3A_10, %dma_start3A_15] : memref<10240x128xf32, #tpu.memory_space<vmem_shared>> -> memref<640x128xf32, #tpu.memory_space<vmem_shared>>
      tpu.enqueue_dma source(%dma_start3A_16 : memref<640x128xf32, #tpu.memory_space<vmem_shared>>) target(%dma_start3A_14 : memref<640x128xf32, #tpu.memory_space<hbm>>) target_semaphore(%run_scoped3A : memref<!tpu.dma_semaphore, #tpu.memory_space<semaphore_mem>>)
      %dma_wait3A = arith.constant 0 : i32
      %dma_wait3A_17 = tpu.memref_slice %arg6[%arg0, %mul3A_12, %dma_wait3A] : memref<2x10240x128xf32, #tpu.memory_space<hbm>> -> memref<1x640x128xf32, #tpu.memory_space<hbm>>
      %dma_wait3A_18 = tpu.memref_squeeze %dma_wait3A_17 : memref<1x640x128xf32, #tpu.memory_space<hbm>> -> memref<640x128xf32, #tpu.memory_space<hbm>>
      %dma_wait3A_19 = arith.constant 0 : i32
      %dma_wait3A_20 = tpu.memref_slice %arg10[%mul3A_10, %dma_wait3A_19] : memref<10240x128xf32, #tpu.memory_space<vmem_shared>> -> memref<640x128xf32, #tpu.memory_space<vmem_shared>>
      tpu.wait_dma2 semaphore(%run_scoped3A : memref<!tpu.dma_semaphore, #tpu.memory_space<semaphore_mem>>) src(%dma_wait3A_20 : memref<640x128xf32, #tpu.memory_space<vmem_shared>>) dst(%dma_wait3A_18 : memref<640x128xf32, #tpu.memory_space<hbm>>)
      tpu.yield
    }) : () -> ()
    return
  }
}

module attributes {stable_mosaic.version = 14 : i64} {
  func.func @_tc_a_body(%arg0: i32, %arg1: memref<1280x128xf32, #tpu.memory_space<vmem>>, %arg2: memref<128x128xf32, #tpu.memory_space<vmem>>, %arg3: memref<1280x32xf32, #tpu.memory_space<vmem>>, %arg4: memref<1280x128xf32, #tpu.memory_space<vmem>>) attributes {dimension_semantics = [#tpu.dimension_semantics<arbitrary>], iteration_bounds = array<i64: 8>, scalar_prefetch = 0 : i64, scratch_operands = 0 : i64, tpu.core_type = #tpu.core_type<tc>, window_params = [{transform_indices = @transform_0, window_bounds = array<i64: 1280, 128>}, {pipeline_mode = #tpu.pipeline_mode<synchronous>, transform_indices = @transform_1, window_bounds = array<i64: 128, 128>}, {transform_indices = @transform_2, window_bounds = array<i64: 1280, 32>}, {transform_indices = @transform_3, window_bounds = array<i64: 1280, 128>}]} {
    %get3A = arith.constant 0 : index
    %get3A_0 = arith.constant 0 : index
    %get3A_1 = vector.load %arg3[%get3A, %get3A_0] : memref<1280x32xf32, #tpu.memory_space<vmem>>, vector<1280x32xf32>
    %reduce_sum3A = arith.constant dense<0.000000e+00> : vector<1280xf32>
    %reduce_sum3A_2 = vector.multi_reduction <add>, %get3A_1, %reduce_sum3A [1] : vector<1280x32xf32> to vector<1280xf32>
    %broadcast_in_dim3A = vector.shape_cast %reduce_sum3A_2 : vector<1280xf32> to vector<1280x1xf32>
    %add3A = arith.constant 1.000000e+00 : f32
    %add3A_3 = vector.broadcast %add3A : f32 to vector<1280x1xf32>
    %add3A_4 = arith.addf %broadcast_in_dim3A, %add3A_3 : vector<1280x1xf32>
    %rsqrt3A = math.rsqrt %add3A_4 : vector<1280x1xf32>
    %get3A_5 = arith.constant 0 : index
    %get3A_6 = arith.constant 0 : index
    %get3A_7 = vector.load %arg1[%get3A_5, %get3A_6] : memref<1280x128xf32, #tpu.memory_space<vmem>>, vector<1280x128xf32>
    %get3A_8 = arith.constant 0 : index
    %get3A_9 = arith.constant 0 : index
    %get3A_10 = vector.load %arg2[%get3A_8, %get3A_9] : memref<128x128xf32, #tpu.memory_space<vmem>>, vector<128x128xf32>
    %dot_general3A = arith.constant dense<0.000000e+00> : vector<1280x128xf32>
    %dot_general3A_11 = tpu.matmul %get3A_7, %get3A_10, %dot_general3A {dimension_numbers = #tpu.dot_dimension_numbers<[1], [0], [0], [1], [0, 0, 1, 1], [], []>, transpose_lhs_hint = false} : vector<1280x128xf32>, vector<128x128xf32>, vector<1280x128xf32> -> vector<1280x128xf32>
    %mul3A = vector.broadcast %rsqrt3A : vector<1280x1xf32> to vector<1280x128xf32>
    %mul3A_12 = arith.mulf %dot_general3A_11, %mul3A : vector<1280x128xf32>
    %swap3A = arith.constant 0 : index
    %swap3A_13 = arith.constant 0 : index
    %swap3A_14 = vector.load %arg4[%swap3A, %swap3A_13] : memref<1280x128xf32, #tpu.memory_space<vmem>>, vector<1280x128xf32>
    tpu.vector_store %arg4[%swap3A, %swap3A_13], %mul3A_12 {strides = array<i32>} : memref<1280x128xf32, #tpu.memory_space<vmem>>, vector<1280x128xf32>,
    return
  }
  func.func @transform_0(%arg0: i32) -> (i32, i32) {
    %c0_i32 = arith.constant 0 : i32
    %c0_i32_0 = arith.constant 0 : i32
    return %arg0, %c0_i32 : i32, i32
  }
  func.func @transform_1(%arg0: i32) -> (i32, i32) {
    %c0_i32 = arith.constant 0 : i32
    %c0_i32_0 = arith.constant 0 : i32
    %c0_i32_1 = arith.constant 0 : i32
    return %c0_i32, %c0_i32_0 : i32, i32
  }
  func.func @transform_2(%arg0: i32) -> (i32, i32) {
    %c0_i32 = arith.constant 0 : i32
    %c0_i32_0 = arith.constant 0 : i32
    return %arg0, %c0_i32 : i32, i32
  }
  func.func @transform_3(%arg0: i32) -> (i32, i32) {
    %c0_i32 = arith.constant 0 : i32
    %c0_i32_0 = arith.constant 0 : i32
    return %arg0, %c0_i32 : i32, i32
  }
}

module attributes {stable_mosaic.version = 14 : i64} {
  func.func @_tc_b_body(%arg0: i32, %arg1: memref<1280x128xf32, #tpu.memory_space<vmem>>, %arg2: memref<1280x128xf32, #tpu.memory_space<vmem>>, %arg3: memref<1280x128xf32, #tpu.memory_space<vmem>>, %arg4: memref<1280x32xf32, #tpu.memory_space<vmem>>, %arg5: memref<128x128xf32, #tpu.memory_space<vmem>>, %arg6: memref<1x128xf32, #tpu.memory_space<vmem>>, %arg7: memref<1280x128xf32, #tpu.memory_space<vmem>>) attributes {dimension_semantics = [#tpu.dimension_semantics<arbitrary>], iteration_bounds = array<i64: 8>, scalar_prefetch = 0 : i64, scratch_operands = 0 : i64, tpu.core_type = #tpu.core_type<tc>, window_params = [{transform_indices = @transform_0, window_bounds = array<i64: 1280, 128>}, {transform_indices = @transform_1, window_bounds = array<i64: 1280, 128>}, {transform_indices = @transform_2, window_bounds = array<i64: 1280, 128>}, {transform_indices = @transform_3, window_bounds = array<i64: 1280, 32>}, {pipeline_mode = #tpu.pipeline_mode<synchronous>, transform_indices = @transform_4, window_bounds = array<i64: 128, 128>}, {pipeline_mode = #tpu.pipeline_mode<synchronous>, transform_indices = @transform_5, window_bounds = array<i64: 1, 128>}, {transform_indices = @transform_6, window_bounds = array<i64: 1280, 128>}]} {
    %get3A = arith.constant 0 : index
    %get3A_0 = arith.constant 0 : index
    %get3A_1 = vector.load %arg4[%get3A, %get3A_0] : memref<1280x32xf32, #tpu.memory_space<vmem>>, vector<1280x32xf32>
    %reduce_sum3A = arith.constant dense<0.000000e+00> : vector<1280xf32>
    %reduce_sum3A_2 = vector.multi_reduction <add>, %get3A_1, %reduce_sum3A [1] : vector<1280x32xf32> to vector<1280xf32>
    %broadcast_in_dim3A = vector.shape_cast %reduce_sum3A_2 : vector<1280xf32> to vector<1280x1xf32>
    %add3A = arith.constant 1.000000e+00 : f32
    %add3A_3 = vector.broadcast %add3A : f32 to vector<1280x1xf32>
    %add3A_4 = arith.addf %broadcast_in_dim3A, %add3A_3 : vector<1280x1xf32>
    %rsqrt3A = math.rsqrt %add3A_4 : vector<1280x1xf32>
    %get3A_5 = arith.constant 0 : index
    %get3A_6 = arith.constant 0 : index
    %get3A_7 = vector.load %arg2[%get3A_5, %get3A_6] : memref<1280x128xf32, #tpu.memory_space<vmem>>, vector<1280x128xf32>
    %get3A_8 = arith.constant 0 : index
    %get3A_9 = arith.constant 0 : index
    %get3A_10 = vector.load %arg3[%get3A_8, %get3A_9] : memref<1280x128xf32, #tpu.memory_space<vmem>>, vector<1280x128xf32>
    %add3A_11 = arith.addf %get3A_7, %get3A_10 : vector<1280x128xf32>
    %get3A_12 = arith.constant 0 : index
    %get3A_13 = arith.constant 0 : index
    %get3A_14 = vector.load %arg1[%get3A_12, %get3A_13] : memref<1280x128xf32, #tpu.memory_space<vmem>>, vector<1280x128xf32>
    %add3A_15 = arith.addf %add3A_11, %get3A_14 : vector<1280x128xf32>
    %mul3A = vector.broadcast %rsqrt3A : vector<1280x1xf32> to vector<1280x128xf32>
    %mul3A_16 = arith.mulf %add3A_15, %mul3A : vector<1280x128xf32>
    %get3A_17 = arith.constant 0 : index
    %get3A_18 = arith.constant 0 : index
    %get3A_19 = vector.load %arg6[%get3A_17, %get3A_18] : memref<1x128xf32, #tpu.memory_space<vmem>>, vector<1x128xf32>
    %add3A_20 = vector.broadcast %get3A_19 : vector<1x128xf32> to vector<1280x128xf32>
    %add3A_21 = arith.addf %mul3A_16, %add3A_20 : vector<1280x128xf32>
    %max3A = arith.constant 0.000000e+00 : f32
    %max3A_22 = vector.broadcast %max3A : f32 to vector<1280x128xf32>
    %max3A_23 = arith.maximumf %add3A_21, %max3A_22 : vector<1280x128xf32>
    %get3A_24 = arith.constant 0 : index
    %get3A_25 = arith.constant 0 : index
    %get3A_26 = vector.load %arg5[%get3A_24, %get3A_25] : memref<128x128xf32, #tpu.memory_space<vmem>>, vector<128x128xf32>
    %dot_general3A = arith.constant dense<0.000000e+00> : vector<1280x128xf32>
    %dot_general3A_27 = tpu.matmul %max3A_23, %get3A_26, %dot_general3A {dimension_numbers = #tpu.dot_dimension_numbers<[1], [0], [0], [1], [0, 0, 1, 1], [], []>, transpose_lhs_hint = false} : vector<1280x128xf32>, vector<128x128xf32>, vector<1280x128xf32> -> vector<1280x128xf32>
    %mul3A_28 = vector.broadcast %rsqrt3A : vector<1280x1xf32> to vector<1280x128xf32>
    %mul3A_29 = arith.mulf %dot_general3A_27, %mul3A_28 : vector<1280x128xf32>
    %swap3A = arith.constant 0 : index
    %swap3A_30 = arith.constant 0 : index
    %swap3A_31 = vector.load %arg7[%swap3A, %swap3A_30] : memref<1280x128xf32, #tpu.memory_space<vmem>>, vector<1280x128xf32>
    tpu.vector_store %arg7[%swap3A, %swap3A_30], %mul3A_29 {strides = array<i32>} : memref<1280x128xf32, #tpu.memory_space<vmem>>, vector<1280x128xf32>,
    return
  }
  func.func @transform_0(%arg0: i32) -> (i32, i32) {
    %c0_i32 = arith.constant 0 : i32
    %c0_i32_0 = arith.constant 0 : i32
    return %arg0, %c0_i32 : i32, i32
  }
  func.func @transform_1(%arg0: i32) -> (i32, i32) {
    %c0_i32 = arith.constant 0 : i32
    %c0_i32_0 = arith.constant 0 : i32
    return %arg0, %c0_i32 : i32, i32
  }
  func.func @transform_2(%arg0: i32) -> (i32, i32) {
    %c0_i32 = arith.constant 0 : i32
    %c0_i32_0 = arith.constant 0 : i32
    return %arg0, %c0_i32 : i32, i32
  }
  func.func @transform_3(%arg0: i32) -> (i32, i32) {
    %c0_i32 = arith.constant 0 : i32
    %c0_i32_0 = arith.constant 0 : i32
    return %arg0, %c0_i32 : i32, i32
  }
  func.func @transform_4(%arg0: i32) -> (i32, i32) {
    %c0_i32 = arith.constant 0 : i32
    %c0_i32_0 = arith.constant 0 : i32
    %c0_i32_1 = arith.constant 0 : i32
    return %c0_i32, %c0_i32_0 : i32, i32
  }
  func.func @transform_5(%arg0: i32) -> (i32, i32) {
    %c0_i32 = arith.constant 0 : i32
    %c0_i32_0 = arith.constant 0 : i32
    %c0_i32_1 = arith.constant 0 : i32
    return %c0_i32, %c0_i32_0 : i32, i32
  }
  func.func @transform_6(%arg0: i32) -> (i32, i32) {
    %c0_i32 = arith.constant 0 : i32
    %c0_i32_0 = arith.constant 0 : i32
    return %arg0, %c0_i32 : i32, i32
  }
}

module attributes {stable_mosaic.version = 14 : i64} {
  func.func @_tc_c_body(%arg0: i32, %arg1: memref<1280x128xf32, #tpu.memory_space<vmem>>, %arg2: memref<1280x128xf32, #tpu.memory_space<vmem>>, %arg3: memref<1280x128xf32, #tpu.memory_space<vmem>>, %arg4: memref<1280x32xf32, #tpu.memory_space<vmem>>, %arg5: memref<1x128xf32, #tpu.memory_space<vmem>>, %arg6: memref<1280x128xf32, #tpu.memory_space<vmem>>) attributes {dimension_semantics = [#tpu.dimension_semantics<arbitrary>], iteration_bounds = array<i64: 8>, scalar_prefetch = 0 : i64, scratch_operands = 0 : i64, tpu.core_type = #tpu.core_type<tc>, window_params = [{transform_indices = @transform_0, window_bounds = array<i64: 1280, 128>}, {transform_indices = @transform_1, window_bounds = array<i64: 1280, 128>}, {transform_indices = @transform_2, window_bounds = array<i64: 1280, 128>}, {transform_indices = @transform_3, window_bounds = array<i64: 1280, 32>}, {pipeline_mode = #tpu.pipeline_mode<synchronous>, transform_indices = @transform_4, window_bounds = array<i64: 1, 128>}, {transform_indices = @transform_5, window_bounds = array<i64: 1280, 128>}]} {
    %get3A = arith.constant 0 : index
    %get3A_0 = arith.constant 0 : index
    %get3A_1 = vector.load %arg4[%get3A, %get3A_0] : memref<1280x32xf32, #tpu.memory_space<vmem>>, vector<1280x32xf32>
    %reduce_sum3A = arith.constant dense<0.000000e+00> : vector<1280xf32>
    %reduce_sum3A_2 = vector.multi_reduction <add>, %get3A_1, %reduce_sum3A [1] : vector<1280x32xf32> to vector<1280xf32>
    %broadcast_in_dim3A = vector.shape_cast %reduce_sum3A_2 : vector<1280xf32> to vector<1280x1xf32>
    %add3A = arith.constant 1.000000e+00 : f32
    %add3A_3 = vector.broadcast %add3A : f32 to vector<1280x1xf32>
    %add3A_4 = arith.addf %broadcast_in_dim3A, %add3A_3 : vector<1280x1xf32>
    %rsqrt3A = math.rsqrt %add3A_4 : vector<1280x1xf32>
    %get3A_5 = arith.constant 0 : index
    %get3A_6 = arith.constant 0 : index
    %get3A_7 = vector.load %arg2[%get3A_5, %get3A_6] : memref<1280x128xf32, #tpu.memory_space<vmem>>, vector<1280x128xf32>
    %get3A_8 = arith.constant 0 : index
    %get3A_9 = arith.constant 0 : index
    %get3A_10 = vector.load %arg3[%get3A_8, %get3A_9] : memref<1280x128xf32, #tpu.memory_space<vmem>>, vector<1280x128xf32>
    %add3A_11 = arith.addf %get3A_7, %get3A_10 : vector<1280x128xf32>
    %get3A_12 = arith.constant 0 : index
    %get3A_13 = arith.constant 0 : index
    %get3A_14 = vector.load %arg1[%get3A_12, %get3A_13] : memref<1280x128xf32, #tpu.memory_space<vmem>>, vector<1280x128xf32>
    %add3A_15 = arith.addf %add3A_11, %get3A_14 : vector<1280x128xf32>
    %mul3A = vector.broadcast %rsqrt3A : vector<1280x1xf32> to vector<1280x128xf32>
    %mul3A_16 = arith.mulf %add3A_15, %mul3A : vector<1280x128xf32>
    %get3A_17 = arith.constant 0 : index
    %get3A_18 = arith.constant 0 : index
    %get3A_19 = vector.load %arg5[%get3A_17, %get3A_18] : memref<1x128xf32, #tpu.memory_space<vmem>>, vector<1x128xf32>
    %add3A_20 = vector.broadcast %get3A_19 : vector<1x128xf32> to vector<1280x128xf32>
    %add3A_21 = arith.addf %mul3A_16, %add3A_20 : vector<1280x128xf32>
    %swap3A = arith.constant 0 : index
    %swap3A_22 = arith.constant 0 : index
    %swap3A_23 = vector.load %arg6[%swap3A, %swap3A_22] : memref<1280x128xf32, #tpu.memory_space<vmem>>, vector<1280x128xf32>
    tpu.vector_store %arg6[%swap3A, %swap3A_22], %add3A_21 {strides = array<i32>} : memref<1280x128xf32, #tpu.memory_space<vmem>>, vector<1280x128xf32>,
    return
  }
  func.func @transform_0(%arg0: i32) -> (i32, i32) {
    %c0_i32 = arith.constant 0 : i32
    %c0_i32_0 = arith.constant 0 : i32
    return %arg0, %c0_i32 : i32, i32
  }
  func.func @transform_1(%arg0: i32) -> (i32, i32) {
    %c0_i32 = arith.constant 0 : i32
    %c0_i32_0 = arith.constant 0 : i32
    return %arg0, %c0_i32 : i32, i32
  }
  func.func @transform_2(%arg0: i32) -> (i32, i32) {
    %c0_i32 = arith.constant 0 : i32
    %c0_i32_0 = arith.constant 0 : i32
    return %arg0, %c0_i32 : i32, i32
  }
  func.func @transform_3(%arg0: i32) -> (i32, i32) {
    %c0_i32 = arith.constant 0 : i32
    %c0_i32_0 = arith.constant 0 : i32
    return %arg0, %c0_i32 : i32, i32
  }
  func.func @transform_4(%arg0: i32) -> (i32, i32) {
    %c0_i32 = arith.constant 0 : i32
    %c0_i32_0 = arith.constant 0 : i32
    %c0_i32_1 = arith.constant 0 : i32
    return %c0_i32, %c0_i32_0 : i32, i32
  }
  func.func @transform_5(%arg0: i32) -> (i32, i32) {
    %c0_i32 = arith.constant 0 : i32
    %c0_i32_0 = arith.constant 0 : i32
    return %arg0, %c0_i32 : i32, i32
  }
}

</mosaic_0001>

<sc_bundles>
// kernel: kernel.11.cloned.1.call-start
scs
__scs_entry_jumppad:
0x0: {  	(pc) =	sbr.rel $0x88, $3  }
0x1: {  	(tag) =	ssettag $0x0;
	lr =	simm.s32 $0x1  }
0x2: {  	[smem:$0x3F9B] =	sst lr;
	_ =	strace $0xD0000000  }
0x3: {  	_ = 	snop  }
0x4: {  	_ = 	snop  }
0x5: {  	_ = 	snop  }
0x6: {  	_ = 	snop  }
0x7: {  	_ = 	snop  }
__scs_overlays_trampoline_lowered:
0x8: {  	[smem:$0x3FAA] =	sst s0  }
0x9: {  	[smem:$0x3FAB] =	sst s1  }
0xa: {  	[smem:$0x3FAC] =	sst s2  }
0xb: {  	[smem:$0x3FAD] =	sst s3  }
0xc: {  	[smem:$0x3FAE] =	sst s4  }
0xd: {  	[smem:$0x3FAF] =	sst s5  }
0xe: {  	[smem:$0x3FB0] =	sst s6  }
0xf: {  	[smem:$0x3FB1] =	sst s7  }
0x10: {  	[smem:$0x3FB2] =	sst s8  }
0x11: {  	[smem:$0x3FB3] =	sst s9;
	s0 =	simm.s32 @!p0 $0x0  }
0x12: {  	s1 =	sld [smem:$0x3F99];
	s0 =	simm.s32 @p0 $0x1  }
0x13: {  	[smem:$0x3FB4] =	sst s0;
	s0 =	simm.s32 @!p1 $0x0  }
0x14: {  	s2 =	sld [smem:$0x3F98];
	s0 =	simm.s32 @p1 $0x1  }
0x15: {  	[smem:$0x3FB5] =	sst s0;
	s0 =	simm.s32 @!p2 $0x0  }
0x16: {  	s3 =	sld [smem:$0x3FDB];
	s0 =	simm.s32 @p2 $0x1  }
0x17: {  	s4 =	simm.s32 $0x1BF5;
	[smem:$0x3FB7] =	sst s0  }
0x18: {  	s0 =	sld [smem:$0x3F9A];
	_ =	swait.ge [sflag:s4], $0x0  }
0x19: {  	s7 =	sld [smem:$0x3F9B]  }
0x1a: {  	s8 =	sadd.s32 $0xFFFFE003, lr  }
0x1b: {  	s9 =	sadd.s32 $0xFFFFFEF7, lr;
	s5 =	simm.s32 $0xFFFFFFFF;
	p2 =	slt.u32 s8, $0xFFFFF086  }
0x1c: {  	p1 =	slt.u32 s9, $0xF7A;
	s5 =	simm.s32 @!p2 $0x0  }
0x1d: {  	s5 =	simm.s32 @p1 $0x1;
	p0 =	seq.s32 s7, s2  }
0x1e: {  	s7 =	smul.u32 @!p0 $0xF7A, s2;
	p2 =	seq.s32 @!p0 s5, $0x0  }
0x1f: {  	s9 =	smul.u32 $0xF7A, s1;
	s8 =	simm.s32 @!p0 $0x1BF5;
	p2 =	por !p2, p0  }
0x20: {  	[sflag:s8] =	ssyncset.s32 @!p0 $0xFFFFF086;
	s6 =	sadd.s32 @!p0 s3, s7;
	s7 =	simm.s32 @!p0 $0x108  }
0x21: {  	s3 =	sadd.s32 s3, s9;
	s6 =	sadd.s32 @!p0 $0x88, s6;
	s7 =	simm.s32 @p2 $0x1082  }
0x22: {  	[simem:s7], [sflag:s8] =	dma.local @!p0 [hbm:s6], $0xF7A  }
0x23: {  	s9 =	sor.u32 $0xD0000000, s2;
	s6 =	simm.s32 $0x108;
	_ =	swait.ge @!p0 [sflag:s8], $0x0  }
0x24: {  	s3 =	sadd.s32 $0x88, s3;
	s6 =	simm.s32 @!p1 $0x1082;
	[sflag:s4] =	ssyncset.s32 $0xFFFFF086  }
0x25: {  	[simem:s6], [sflag:s4] =	dma.local [hbm:s3], $0xF7A  }
0x26: {  	[smem:$0x3F9B] =	sst s1;
	(tag) =	ssettag s2;
	_ =	strace s9  }
0x27: {  	s1 =	sld [smem:$0x3FAB]  }
0x28: {  	s2 =	sld [smem:$0x3FAC]  }
0x29: {  	s4 =	sld [smem:$0x3FAE]  }
0x2a: {  	p0 =	seq.s32 s5, $0x0;
	s5 =	sld [smem:$0x3FAF]  }
0x2b: {  	s6 =	sld [smem:$0x3FB0]  }
0x2c: {  	s7 =	sld [smem:$0x3FB1]  }
0x2d: {  	s3 =	simm.s32 $0x108;
	s8 =	sld [smem:$0x3FB2]  }
0x2e: {  	s3 =	simm.s32 @!p0 $0x1082;
	s9 =	sld [smem:$0x3FB3]  }
0x2f: {  	lr =	sadd.s32 s0, s3;
	s0 =	sld [smem:$0x3FAA]  }
0x30: {  	s3 =	sld [smem:$0x3FAD]  }
0x31: {  	[smem:$0x3FB6] =	sst s10  }
0x32: {  	s10 =	sld [smem:$0x3FB4];
	_ =	sdelay $0x3  }
0x33: {  	p0 =	seq.s32 s10, $0x1;
	s10 =	sld [smem:$0x3FB6];
	_ =	sdelay $0x3  }
0x34: {  	[smem:$0x3FB6] =	sst s10  }
0x35: {  	s10 =	sld [smem:$0x3FB5];
	_ =	sdelay $0x3  }
0x36: {  	p1 =	seq.s32 s10, $0x1;
	s10 =	sld [smem:$0x3FB6];
	_ =	sdelay $0x3  }
0x37: {  	[smem:$0x3FB6] =	sst s10  }
0x38: {  	s10 =	sld [smem:$0x3FB7]  }
0x39: {  	_ = 	snop;
	(pc) =	sbr.ind lr, $3  }
0x3a: {  	_ = 	snop  }
0x3b: {  	_ = 	snop  }
0x3c: {  	p2 =	seq.s32 s10, $0x1;
	s10 =	sld [smem:$0x3FB6]  }
0x3d: {  	_ =	shalt  }
0x3e: {  	_ =	shalt  }
0x3f: {  	_ =	shalt  }
0x40: {  	_ =	shalt  }
0x41: {  	_ =	shalt  }
0x42: {  	_ =	shalt  }
0x43: {  	_ =	shalt  }
0x44: {  	_ =	shalt  }
0x45: {  	_ =	shalt  }
0x46: {  	_ =	shalt  }
0x47: {  	_ =	shalt  }
0x48: {  	_ =	shalt  }
0x49: {  	_ =	shalt  }
0x4a: {  	_ =	shalt  }
0x4b: {  	_ =	shalt  }
0x4c: {  	_ =	shalt  }
0x4d: {  	_ =	shalt  }
0x4e: {  	_ =	shalt  }
0x4f: {  	_ =	shalt  }
0x50: {  	_ =	shalt  }
0x51: {  	_ =	shalt  }
0x52: {  	_ =	shalt  }
0x53: {  	_ =	shalt  }
0x54: {  	_ =	shalt  }
0x55: {  	_ =	shalt  }
0x56: {  	_ =	shalt  }
0x57: {  	_ =	shalt  }
0x58: {  	_ =	shalt  }
0x59: {  	_ =	shalt  }
0x5a: {  	_ =	shalt  }
0x5b: {  	_ =	shalt  }
0x5c: {  	_ =	shalt  }
0x5d: {  	_ =	shalt  }
0x5e: {  	_ =	shalt  }
0x5f: {  	_ =	shalt  }
0x60: {  	_ =	shalt  }
0x61: {  	_ =	shalt  }
0x62: {  	_ =	shalt  }
0x63: {  	_ =	shalt  }
0x64: {  	_ =	shalt  }
0x65: {  	_ =	shalt  }
0x66: {  	_ =	shalt  }
0x67: {  	_ =	shalt  }
0x68: {  	_ =	shalt  }
0x69: {  	_ =	shalt  }
0x6a: {  	_ =	shalt  }
0x6b: {  	_ =	shalt  }
0x6c: {  	_ =	shalt  }
0x6d: {  	_ =	shalt  }
0x6e: {  	_ =	shalt  }
0x6f: {  	_ =	shalt  }
0x70: {  	_ =	shalt  }
0x71: {  	_ =	shalt  }
0x72: {  	_ =	shalt  }
0x73: {  	_ =	shalt  }
0x74: {  	_ =	shalt  }
0x75: {  	_ =	shalt  }
0x76: {  	_ =	shalt  }
0x77: {  	_ =	shalt  }
0x78: {  	_ =	shalt  }
0x79: {  	_ =	shalt  }
0x7a: {  	_ =	shalt  }
0x7b: {  	_ =	shalt  }
0x7c: {  	_ =	shalt  }
0x7d: {  	_ =	shalt  }
0x7e: {  	_ =	shalt  }
0x7f: {  	_ =	shalt  }
0x80: {  	_ =	shalt  }
0x81: {  	_ =	shalt  }
0x82: {  	_ =	shalt  }
0x83: {  	_ =	shalt  }
0x84: {  	_ =	shalt  }
0x85: {  	_ =	shalt  }
0x86: {  	_ =	shalt  }
0x87: {  	_ =	shalt  }
.Lfunc_end0:
.L_simem_size_0:
called_computation.1_lowered:
.L_overlay_start_0:
0x88: {  	s2 =	sld [smem:$0x3FD9]  }
0x89: {  	s3 =	sld [smem:$0x3FFE];
	_ =	sdelay $0x1  }
0x8a: {  	s1 =	srdreg.scid  }
0x8b: {  	s0 =	sand.u32 $0x1, s1  }
0x8c: {  	s17 =	sshll.u32 s0, $0xA;
	s2 =	sadd.s32 s3, s2  }
0x8d: {  	s2 =	sadd.s32 s2, s17  }
0x8e: {  	[smem:$0x3FC2] =	sst s2  }
0x8f: {  	_ = 	snop  }
0x90: {  	s2 =	sld [smem:$0x3FD0];
	(tm) =	ssettm $0x1  }
0x91: {  	s18 =	sld [smem:$0x3FFB];
	_ =	sdelay $0x3  }
0x92: {  	_ =	strace s18  }
0x93: {  	s3 =	sld [smem:$0x3FFC];
	_ =	sdelay $0x3  }
0x94: {  	_ =	strace s3  }
0x95: {  	s3 =	sld [smem:$0x3FFD];
	_ =	sdelay $0x3  }
0x96: {  	_ =	strace s3  }
0x97: {  	_ =	strace $0x8FFFFFFF  }
0x98: {  	s19 =	sld [smem:$0x3FDB];
	_ =	sdelay $0x1  }
0x99: {  	s4 =	simm.s32 $_scs_section_size  }
0x9a: {  	s5 =	simm.s32 $_size__tile_overlayer_lowered;
	s6 =	simm.s32 $_tile_overlayer_lowered  }
0x9b: {  	s22 =	simm.s32 $0x1BFF;
	s21 =	sshll.u32 s6, $0x1;
	s3 =	sadd.s32 s4, s19  }
0x9c: {  	s7 =	simm.s32 $0x0;
	s20 =	sshll.u32 s5, $0x1;
	s5 =	sadd.s32 s21, s3  }
0x9d: {  	[timem:s7], [sflag:s22] =	dma.local [hbm:s5], s20  }
0x9e: {  	_ =	swait.ge [sflag:s22], s20  }
0x9f: {  	s4 =	ssub.s32 $0x0, s20;
	[sflag:s22] =	ssyncset.done $0x0  }
0xa0: {  	[sflag:s22] =	ssyncadd.s32 s4;
	_ =	sdelay $0x1  }
0xa1: {  	s23 =	simm.s32 $0x1B8B  }
0xa2: {  	_ =	swait.ge [sflag:s23], $0x1  }
0xa3: {  	[sflag:s23] =	ssyncset.done $0x0  }
0xa4: {  	s25 =	simm.s32 $0x1B8E;
	s24 =	sld [smem:$0x3FFE];
	[sflag:s23] =	ssyncadd.s32 $0xFFFFFFFF  }
0xa5: {  	s26 =	simm.s32 $execute0_lowered;
	[smem:$0x3FD2] =	sst s25  }
0xa6: {  	s5 =	sshll.u32 s26, $0x1;
	_ =	strace $0x80000049;
	[dreg:$0x1] =	wrdreg $0xFFFFFFFF  }
0xa7: {  	s28 =	simm.s32 $_size_execute0_lowered;
	s3 =	sadd.s32 s3, s5;
	[dreg:$0x0] =	wrdreg $0x0  }
0xa8: {  	s5 =	sshll.u32 s28, $0x1;
	[dreg:$0x2] =	wrdreg s3  }
0xa9: {  	[dreg:$0x3] =	wrdreg s5  }
0xaa: {  	[dreg:$0x4] =	wrdreg $0xC0  }
0xab: {  	_ =	task [dreg:s7], $0x5FFFF  }
0xac: {  	[dreg:$0x1] =	wrdreg $0xFFFFFFFF  }
0xad: {  	[dreg:$0x0] =	wrdreg $0x60  }
0xae: {  	[dreg:$0x2] =	wrdreg s24  }
0xaf: {  	[dreg:$0x3] =	wrdreg s2  }
0xb0: {  	[dreg:$0x4] =	wrdreg $0x90000  }
0xb1: {  	[dreg:$0x5] =	wrdreg $0x9  }
0xb2: {  	_ =	task.clear_ibuf [dreg:s7], $0x6FFFF;
	_ =	strace $0x90000049  }
0xb3: {  	s29 =	simm.s32 $0x9;
	_ =	strace $0x8000004B  }
0xb4: {  	_ =	swait.ge [sflag:s29], $0x1  }
0xb5: {  	[sflag:s29] =	ssyncadd.s32 $0xFFFFFFFF  }
0xb6: {  	_ =	strace $0x9000004B  }
0xb7: {  	_ =	sfence  }
0xb8: {  	s30 =	sld [smem:$0x0];
	_ =	sdelay $0x2  }
0xb9: {  	s31 =	sshll.u32 s1, $0xD;
	s1 =	sshrl.u32 s1, $0x2  }
0xba: {  	s3 =	sand.u32 $0x4000, s31;
	s1 =	sadd.s32 s1, s30  }
0xbb: {  	s0 =	sor.u32 s3, s0;
	s1 =	sshll.u32 s1, $0x11  }
0xbc: {  	s0 =	sor.u32 s1, s0  }
0xbd: {  	s0 =	sadd.s32 $0x8F2B, s0  }
0xbe: {  	[sflag:s0] =	ssyncadd.remote.s32 $0x1  }
0xbf: {  	_ =	sfence.sel $0xFFFF  }
0xc0: {  	[dreg:$0x0] =	wrdreg $0xFFFFFFFF;
	(pc) =	sbr.abs _section_cstart, $3  }
0xc1: {  	[dreg:$0x1] =	wrdreg $0xFFFFFFFF  }
0xc2: {  	_ =	task.clear_ibuf [dreg:s7], $0x2FFFF;
	_ =	strace $0x9FFFFFFF  }
0xc3: {  	(tm) =	ssettm $0x7FFFFFFF  }
tec
execute0_lowered:
.L_overlay_start_1:
0x0: {  	(tag) =	ssettag $0x1  }
0x1: {  	s6 =	rddreg [dreg:$0x0]  }
0x2: {  	s7 =	rddreg [dreg:$0x1]  }
0x3: {  	s0 =	srdreg.scid;
	s2 =	rddreg [dreg:$0x2];
	s3 =	simm.s32 $0x0  }
0x4: {  	s14 =	simm.s32 $0x80;
	s15 =	simm.s32 $0x5000;
	s16 =	simm.s32 $0x1  }
0x5: {  	s17 =	simm.s32 $0x2;
	s5 =	sand.u32 $0x1, s0;
	s0 =	stileid.u32  }
0x6: {  	s18 =	simm.s32 $0x0;
	[smem:$0x7FF] =	sst s3;
	s9 =	smul.u32 $0x140000, s5  }
0x7: {  	s4 =	sadd.s32 $0x3EE00, s6;
	s1 =	sshll.u32 s5, $0x4;
	s10 =	smul.u32 $0x14000, s0  }
0x8: {  	s29 =	ssub.s32 $0x2, s5;
	s12 =	smul.u32 $0x50000, s0;
	s5 =	sadd.s32 $0x2E00, s6  }
0x9: {  	s31 =	sshll.u32 s0, $0x6;
	s1 =	sor.u32 s0, s1;
	s13 =	sshrl.u32 s29, $0x1  }
0xa: {  	s8 =	smul.u32 $0x500, s1;
	s1 =	rddreg [dreg:$0x3];
	_ =	strace $0x8000004A  }
0xb: {  	s9 =	sadd.s32 s10, s9;
	s10 =	ssub.s32 s29, s13;
	s12 =	sshrl.u32 s12, $0x2  }
0xc: {  	s9 =	sshrl.u32 s9, $0x3;
	s30 =	sadd.s32 s12, s2;
	s12 =	sor.u32 $0x1C03, s31  }
0xd: {  	s11 =	sadd.s32 s8, s6;
	s9 =	sadd.s32 s9, s6;
	s7 =	sadd.s32 s7, s8  }
0xe: {  	s13 =	sshrl.u32 s30, $0x3;
	s6 =	sadd.s32 $0xCE00, s11;
	s8 =	sadd.s32 $0x66E00, s9  }
0xf: {  	s9 =	smax.u32 s10, $0x1;
	s10 =	simm.s32 $0x3;
	s11 =	simm.s32 $0x2800  }
.LBB2_1:
0x10: {  	[tilespmem:s3], [sflag:$0x3] =	stream.linear.gather [hbm4b:s6+s3], $0x2800, $0x38;
	[tilespmem:$0x1D000] =	vst v63  }
0x11: {  	_ =	swait.ge [sflag:s10], $0x2800  }
0x12: {  	[sflag:s10] =	ssyncset.done $0x0  }
0x13: {  	[sflag:s10] =	ssyncadd.s32 $0xFFFFD800  }
0x14: {  	[tilespmem:s11], [sflag:$0x3] =	stream.linear.gather [hbm4b:s7+s3], $0x2800, $0x38;
	[tilespmem:$0x1D000] =	vst v63  }
0x15: {  	_ =	swait.ge [sflag:s10], $0x2800  }
0x16: {  	[sflag:s10] =	ssyncset.done $0x0  }
0x17: {  	[sflag:s10] =	ssyncadd.s32 $0xFFFFD800  }
0x18: {  	[spmem:s13], [sflag:s12] =	dma.local [hbm:s5], $0x2800  }
0x19: {  	_ =	swait.ge [sflag:s10], $0x2800  }
0x1a: {  	[sflag:s10] =	ssyncset.done $0x0  }
0x1b: {  	[sflag:s10] =	ssyncadd.s32 $0xFFFFD800  }
0x1c: {  	s19 =	simm.s32 $0x0;
	[bflag:$0x0] =	sbarrier.arrive $0xFFFF  }
0x1d: {  	[tilespmem:s15], [sflag:$0x1] =	stream.indirect.gather [hbm4b:s4+s14], $0x80, s19, s14, $0xb8;
	[tilespmem:$0x1D000] =	vst v63  }
0x1e: {  	_ =	swait.ge [sflag:s16], $0x4000  }
0x1f: {  	[sflag:s16] =	ssyncset.done $0x0  }
0x20: {  	s31 =	simm.s32 $0x2800;
	[sflag:s16] =	ssyncadd.s32 $0xFFFFC000  }
0x21: {  	[spmem:s2] =	stream.indirect.scatter.add.f32 [tilespmem:s15], [sflag:$0x2], $0x80, s31, s14, $0xb8;
	[tilespmem:$0x1D000] =	vst v63  }
0x22: {  	_ =	swait.ge [sflag:s17], $0x4000  }
0x23: {  	s20 =	simm.s32 $0x400;
	s19 =	simm.s32 $0x200;
	[sflag:s17] =	ssyncset.done $0x0  }
.LBB2_2:
0x24: {  	s21 =	sshra.s32 s19, $0x2  }
0x25: {  	[sflag:s17] =	ssyncadd.s32 $0xFFFFC000;
	s19 =	smov.u32 s20;
	s22 =	sadd.s32 $0x200, s20  }
0x26: {  	[tilespmem:s15], [sflag:$0x1] =	stream.indirect.gather [hbm4b:s4+s14], $0x80, s21, s14, $0xb8;
	[tilespmem:$0x1D000] =	vst v63  }
0x27: {  	p0 =	sne.s32 s20, $0x9E00;
	_ =	swait.ge [sflag:s16], $0x4000  }
.Ltmp0:
0x28: {  	[sflag:s16] =	ssyncset.done $0x0;
	(pc) =	sbr.rel @p0 .LBB2_2-.Ltmp0, $4  }
0x29: {  	s20 =	sadd.s32 $0x2800, s21;
	[sflag:s16] =	ssyncadd.s32 $0xFFFFC000  }
0x2a: {  	[spmem:s2] =	stream.indirect.scatter.add.f32 [tilespmem:s15], [sflag:$0x2], $0x80, s20, s14, $0xb8;
	[tilespmem:$0x1D000] =	vst v63  }
0x2b: {  	_ =	swait.ge [sflag:s17], $0x4000  }
0x2c: {  	s20 =	smov.u32 s22;
	[sflag:s17] =	ssyncset.done $0x0  }
0x2d: {  	s19 =	sshra.s32 s19, $0x2;
	[sflag:s17] =	ssyncadd.s32 $0xFFFFC000  }
0x2e: {  	[tilespmem:s15], [sflag:$0x1] =	stream.indirect.gather [hbm4b:s4+s14], $0x80, s19, s14, $0xb8;
	[tilespmem:$0x1D000] =	vst v63  }
0x2f: {  	_ =	swait.ge [sflag:s16], $0x4000  }
0x30: {  	[sflag:s16] =	ssyncset.done $0x0  }
0x31: {  	s19 =	sadd.s32 $0x2800, s19;
	[sflag:s16] =	ssyncadd.s32 $0xFFFFC000  }
0x32: {  	[spmem:s2] =	stream.indirect.scatter.add.f32 [tilespmem:s15], [sflag:$0x2], $0x80, s19, s14, $0xb8;
	[tilespmem:$0x1D000] =	vst v63  }
0x33: {  	_ =	swait.ge [sflag:s17], $0x4000  }
0x34: {  	s18 =	sadd.s32 $0x1, s18;
	[sflag:s17] =	ssyncset.done $0x0  }
0x35: {  	p0 =	sne.s32 s18, s9;
	[sflag:s17] =	ssyncadd.s32 $0xFFFFC000  }
.Ltmp1:
0x36: {  	[bflag:$0x0] =	sbarrier.arrive $0xFFFF;
	(pc) =	sbr.rel @p0 .LBB2_1-.Ltmp1, $4  }
0x37: {  	[hbm:s8], [sflag:s12] =	dma.local [spmem:s13], $0x2800  }
0x38: {  	_ =	swait.ge [sflag:s10], $0x2800  }
0x39: {  	[sflag:s10] =	ssyncset.done $0x0  }
0x3a: {  	[sflag:s10] =	ssyncadd.s32 $0xFFFFD800  }
0x3b: {  	_ =	sfence.sel $0x180000  }
0x3c: {  	[bflag:$0x0] =	sbarrier.arrive $0xFFFF  }
0x3d: {  	p0 =	sne.s32 s0, $0x0;
	_ =	strace $0x9000004A  }
0x3e: {  	s0 =	sadd.s32 @!p0 $0x100000, s1;
	[bflag:$0x2] =	sbarrier.arrive $0xFFFF  }
0x3f: {  	[sflag:s0] =	ssyncadd.tile.s32 @!p0 $0x1;
	_ =	shalt  }
.Lfunc_end2:
_tile_overlayer_lowered:
.L_overlay_start_2:
0x40: {  	(tag) =	ssettag $0x2  }
0x41: {  	s0 =	rddreg [dreg:$0x0];
	s2 =	stileid.u32  }
0x42: {  	s1 =	rddreg [dreg:$0x1];
	p0 =	sne.s32 s2, $0x0  }
0x43: {  	s3 =	rddreg [dreg:$0x2];
	[bflag:$0x3] =	sbarrier.arrive $0xFFFF;
	s2 =	simm.s32 @!p0 $0x1C03  }
0x44: {  	[timem:s3], [sflag:s2] =	dma.local @!p0 [hbm:s0], s1  }
0x45: {  	s0 =	simm.s32 @!p0 $0x3  }
0x46: {  	_ =	swait.ge @!p0 [sflag:s0], s1  }
0x47: {  	s1 =	ssub.s32 @!p0 $0x0, s1;
	[sflag:s0] =	ssyncset.done @!p0 $0x0  }
0x48: {  	[sflag:s0] =	ssyncadd.s32 @!p0 s1  }
0x49: {  	[bflag:$0x3] =	sbarrier.arrive $0xFFFF  }
0x4a: {  	_ =	shalt  }

// kernel: kernel.14.cloned.1.call-start
scs
__scs_entry_jumppad:
0x0: {  	(pc) =	sbr.rel $0x88, $3  }
0x1: {  	(tag) =	ssettag $0x0;
	lr =	simm.s32 $0x1  }
0x2: {  	[smem:$0x3F9B] =	sst lr;
	_ =	strace $0xD0000000  }
0x3: {  	_ = 	snop  }
0x4: {  	_ = 	snop  }
0x5: {  	_ = 	snop  }
0x6: {  	_ = 	snop  }
0x7: {  	_ = 	snop  }
__scs_overlays_trampoline_lowered:
0x8: {  	[smem:$0x3FAA] =	sst s0  }
0x9: {  	[smem:$0x3FAB] =	sst s1  }
0xa: {  	[smem:$0x3FAC] =	sst s2  }
0xb: {  	[smem:$0x3FAD] =	sst s3  }
0xc: {  	[smem:$0x3FAE] =	sst s4  }
0xd: {  	[smem:$0x3FAF] =	sst s5  }
0xe: {  	[smem:$0x3FB0] =	sst s6  }
0xf: {  	[smem:$0x3FB1] =	sst s7  }
0x10: {  	[smem:$0x3FB2] =	sst s8  }
0x11: {  	[smem:$0x3FB3] =	sst s9;
	s0 =	simm.s32 @!p0 $0x0  }
0x12: {  	s1 =	sld [smem:$0x3F99];
	s0 =	simm.s32 @p0 $0x1  }
0x13: {  	[smem:$0x3FB4] =	sst s0;
	s0 =	simm.s32 @!p1 $0x0  }
0x14: {  	s2 =	sld [smem:$0x3F98];
	s0 =	simm.s32 @p1 $0x1  }
0x15: {  	[smem:$0x3FB5] =	sst s0;
	s0 =	simm.s32 @!p2 $0x0  }
0x16: {  	s3 =	sld [smem:$0x3FDB];
	s0 =	simm.s32 @p2 $0x1  }
0x17: {  	s4 =	simm.s32 $0x1BF5;
	[smem:$0x3FB7] =	sst s0  }
0x18: {  	s0 =	sld [smem:$0x3F9A];
	_ =	swait.ge [sflag:s4], $0x0  }
0x19: {  	s7 =	sld [smem:$0x3F9B]  }
0x1a: {  	s8 =	sadd.s32 $0xFFFFE003, lr  }
0x1b: {  	s9 =	sadd.s32 $0xFFFFFEF7, lr;
	s5 =	simm.s32 $0xFFFFFFFF;
	p2 =	slt.u32 s8, $0xFFFFF086  }
0x1c: {  	p1 =	slt.u32 s9, $0xF7A;
	s5 =	simm.s32 @!p2 $0x0  }
0x1d: {  	s5 =	simm.s32 @p1 $0x1;
	p0 =	seq.s32 s7, s2  }
0x1e: {  	s7 =	smul.u32 @!p0 $0xF7A, s2;
	p2 =	seq.s32 @!p0 s5, $0x0  }
0x1f: {  	s9 =	smul.u32 $0xF7A, s1;
	s8 =	simm.s32 @!p0 $0x1BF5;
	p2 =	por !p2, p0  }
0x20: {  	[sflag:s8] =	ssyncset.s32 @!p0 $0xFFFFF086;
	s6 =	sadd.s32 @!p0 s3, s7;
	s7 =	simm.s32 @!p0 $0x108  }
0x21: {  	s3 =	sadd.s32 s3, s9;
	s6 =	sadd.s32 @!p0 $0x88, s6;
	s7 =	simm.s32 @p2 $0x1082  }
0x22: {  	[simem:s7], [sflag:s8] =	dma.local @!p0 [hbm:s6], $0xF7A  }
0x23: {  	s9 =	sor.u32 $0xD0000000, s2;
	s6 =	simm.s32 $0x108;
	_ =	swait.ge @!p0 [sflag:s8], $0x0  }
0x24: {  	s3 =	sadd.s32 $0x88, s3;
	s6 =	simm.s32 @!p1 $0x1082;
	[sflag:s4] =	ssyncset.s32 $0xFFFFF086  }
0x25: {  	[simem:s6], [sflag:s4] =	dma.local [hbm:s3], $0xF7A  }
0x26: {  	[smem:$0x3F9B] =	sst s1;
	(tag) =	ssettag s2;
	_ =	strace s9  }
0x27: {  	s1 =	sld [smem:$0x3FAB]  }
0x28: {  	s2 =	sld [smem:$0x3FAC]  }
0x29: {  	s4 =	sld [smem:$0x3FAE]  }
0x2a: {  	p0 =	seq.s32 s5, $0x0;
	s5 =	sld [smem:$0x3FAF]  }
0x2b: {  	s6 =	sld [smem:$0x3FB0]  }
0x2c: {  	s7 =	sld [smem:$0x3FB1]  }
0x2d: {  	s3 =	simm.s32 $0x108;
	s8 =	sld [smem:$0x3FB2]  }
0x2e: {  	s3 =	simm.s32 @!p0 $0x1082;
	s9 =	sld [smem:$0x3FB3]  }
0x2f: {  	lr =	sadd.s32 s0, s3;
	s0 =	sld [smem:$0x3FAA]  }
0x30: {  	s3 =	sld [smem:$0x3FAD]  }
0x31: {  	[smem:$0x3FB6] =	sst s10  }
0x32: {  	s10 =	sld [smem:$0x3FB4];
	_ =	sdelay $0x3  }
0x33: {  	p0 =	seq.s32 s10, $0x1;
	s10 =	sld [smem:$0x3FB6];
	_ =	sdelay $0x3  }
0x34: {  	[smem:$0x3FB6] =	sst s10  }
0x35: {  	s10 =	sld [smem:$0x3FB5];
	_ =	sdelay $0x3  }
0x36: {  	p1 =	seq.s32 s10, $0x1;
	s10 =	sld [smem:$0x3FB6];
	_ =	sdelay $0x3  }
0x37: {  	[smem:$0x3FB6] =	sst s10  }
0x38: {  	s10 =	sld [smem:$0x3FB7]  }
0x39: {  	_ = 	snop;
	(pc) =	sbr.ind lr, $3  }
0x3a: {  	_ = 	snop  }
0x3b: {  	_ = 	snop  }
0x3c: {  	p2 =	seq.s32 s10, $0x1;
	s10 =	sld [smem:$0x3FB6]  }
0x3d: {  	_ =	shalt  }
0x3e: {  	_ =	shalt  }
0x3f: {  	_ =	shalt  }
0x40: {  	_ =	shalt  }
0x41: {  	_ =	shalt  }
0x42: {  	_ =	shalt  }
0x43: {  	_ =	shalt  }
0x44: {  	_ =	shalt  }
0x45: {  	_ =	shalt  }
0x46: {  	_ =	shalt  }
0x47: {  	_ =	shalt  }
0x48: {  	_ =	shalt  }
0x49: {  	_ =	shalt  }
0x4a: {  	_ =	shalt  }
0x4b: {  	_ =	shalt  }
0x4c: {  	_ =	shalt  }
0x4d: {  	_ =	shalt  }
0x4e: {  	_ =	shalt  }
0x4f: {  	_ =	shalt  }
0x50: {  	_ =	shalt  }
0x51: {  	_ =	shalt  }
0x52: {  	_ =	shalt  }
0x53: {  	_ =	shalt  }
0x54: {  	_ =	shalt  }
0x55: {  	_ =	shalt  }
0x56: {  	_ =	shalt  }
0x57: {  	_ =	shalt  }
0x58: {  	_ =	shalt  }
0x59: {  	_ =	shalt  }
0x5a: {  	_ =	shalt  }
0x5b: {  	_ =	shalt  }
0x5c: {  	_ =	shalt  }
0x5d: {  	_ =	shalt  }
0x5e: {  	_ =	shalt  }
0x5f: {  	_ =	shalt  }
0x60: {  	_ =	shalt  }
0x61: {  	_ =	shalt  }
0x62: {  	_ =	shalt  }
0x63: {  	_ =	shalt  }
0x64: {  	_ =	shalt  }
0x65: {  	_ =	shalt  }
0x66: {  	_ =	shalt  }
0x67: {  	_ =	shalt  }
0x68: {  	_ =	shalt  }
0x69: {  	_ =	shalt  }
0x6a: {  	_ =	shalt  }
0x6b: {  	_ =	shalt  }
0x6c: {  	_ =	shalt  }
0x6d: {  	_ =	shalt  }
0x6e: {  	_ =	shalt  }
0x6f: {  	_ =	shalt  }
0x70: {  	_ =	shalt  }
0x71: {  	_ =	shalt  }
0x72: {  	_ =	shalt  }
0x73: {  	_ =	shalt  }
0x74: {  	_ =	shalt  }
0x75: {  	_ =	shalt  }
0x76: {  	_ =	shalt  }
0x77: {  	_ =	shalt  }
0x78: {  	_ =	shalt  }
0x79: {  	_ =	shalt  }
0x7a: {  	_ =	shalt  }
0x7b: {  	_ =	shalt  }
0x7c: {  	_ =	shalt  }
0x7d: {  	_ =	shalt  }
0x7e: {  	_ =	shalt  }
0x7f: {  	_ =	shalt  }
0x80: {  	_ =	shalt  }
0x81: {  	_ =	shalt  }
0x82: {  	_ =	shalt  }
0x83: {  	_ =	shalt  }
0x84: {  	_ =	shalt  }
0x85: {  	_ =	shalt  }
0x86: {  	_ =	shalt  }
0x87: {  	_ =	shalt  }
.Lfunc_end0:
.L_simem_size_0:
called_computation.2_lowered:
.L_overlay_start_0:
0x88: {  	s2 =	sld [smem:$0x3FD9]  }
0x89: {  	s3 =	sld [smem:$0x3FFE];
	_ =	sdelay $0x1  }
0x8a: {  	s1 =	srdreg.scid  }
0x8b: {  	s0 =	sand.u32 $0x1, s1  }
0x8c: {  	s17 =	sshll.u32 s0, $0xA;
	s2 =	sadd.s32 s3, s2  }
0x8d: {  	s2 =	sadd.s32 s2, s17  }
0x8e: {  	[smem:$0x3FC2] =	sst s2  }
0x8f: {  	_ = 	snop  }
0x90: {  	s2 =	sld [smem:$0x3FD0];
	(tm) =	ssettm $0x1  }
0x91: {  	s18 =	sld [smem:$0x3FFB];
	_ =	sdelay $0x3  }
0x92: {  	_ =	strace s18  }
0x93: {  	s3 =	sld [smem:$0x3FFC];
	_ =	sdelay $0x3  }
0x94: {  	_ =	strace s3  }
0x95: {  	s3 =	sld [smem:$0x3FFD];
	_ =	sdelay $0x3  }
0x96: {  	_ =	strace s3  }
0x97: {  	_ =	strace $0x8FFFFFFF  }
0x98: {  	s19 =	sld [smem:$0x3FDB];
	_ =	sdelay $0x1  }
0x99: {  	s4 =	simm.s32 $_scs_section_size  }
0x9a: {  	s5 =	simm.s32 $_size__tile_overlayer_lowered;
	s6 =	simm.s32 $_tile_overlayer_lowered  }
0x9b: {  	s22 =	simm.s32 $0x1BFF;
	s21 =	sshll.u32 s6, $0x1;
	s3 =	sadd.s32 s4, s19  }
0x9c: {  	s7 =	simm.s32 $0x0;
	s20 =	sshll.u32 s5, $0x1;
	s5 =	sadd.s32 s21, s3  }
0x9d: {  	[timem:s7], [sflag:s22] =	dma.local [hbm:s5], s20  }
0x9e: {  	_ =	swait.ge [sflag:s22], s20  }
0x9f: {  	s4 =	ssub.s32 $0x0, s20;
	[sflag:s22] =	ssyncset.done $0x0  }
0xa0: {  	[sflag:s22] =	ssyncadd.s32 s4;
	_ =	sdelay $0x1  }
0xa1: {  	s23 =	simm.s32 $0x1B8B  }
0xa2: {  	_ =	swait.ge [sflag:s23], $0x1  }
0xa3: {  	[sflag:s23] =	ssyncset.done $0x0  }
0xa4: {  	s25 =	simm.s32 $0x1B8E;
	s24 =	sld [smem:$0x3FFE];
	[sflag:s23] =	ssyncadd.s32 $0xFFFFFFFF  }
0xa5: {  	s26 =	simm.s32 $execute0_lowered;
	[smem:$0x3FD2] =	sst s25  }
0xa6: {  	s5 =	sshll.u32 s26, $0x1;
	_ =	strace $0x8000004C;
	[dreg:$0x1] =	wrdreg $0xFFFFFFFF  }
0xa7: {  	s28 =	simm.s32 $_size_execute0_lowered;
	s3 =	sadd.s32 s3, s5;
	[dreg:$0x0] =	wrdreg $0x0  }
0xa8: {  	s5 =	sshll.u32 s28, $0x1;
	[dreg:$0x2] =	wrdreg s3  }
0xa9: {  	[dreg:$0x3] =	wrdreg s5  }
0xaa: {  	[dreg:$0x4] =	wrdreg $0xC0  }
0xab: {  	_ =	task [dreg:s7], $0x5FFFF  }
0xac: {  	[dreg:$0x1] =	wrdreg $0xFFFFFFFF  }
0xad: {  	[dreg:$0x0] =	wrdreg $0x60  }
0xae: {  	[dreg:$0x2] =	wrdreg s24  }
0xaf: {  	[dreg:$0x3] =	wrdreg s2  }
0xb0: {  	[dreg:$0x4] =	wrdreg $0x90000  }
0xb1: {  	[dreg:$0x5] =	wrdreg $0x9  }
0xb2: {  	_ =	task.clear_ibuf [dreg:s7], $0x6FFFF;
	_ =	strace $0x9000004C  }
0xb3: {  	s29 =	simm.s32 $0x9;
	_ =	strace $0x8000004E  }
0xb4: {  	_ =	swait.ge [sflag:s29], $0x1  }
0xb5: {  	[sflag:s29] =	ssyncadd.s32 $0xFFFFFFFF  }
0xb6: {  	_ =	strace $0x9000004E  }
0xb7: {  	_ =	sfence  }
0xb8: {  	s30 =	sld [smem:$0x0];
	_ =	sdelay $0x2  }
0xb9: {  	s31 =	sshll.u32 s1, $0xD;
	s1 =	sshrl.u32 s1, $0x2  }
0xba: {  	s3 =	sand.u32 $0x4000, s31;
	s1 =	sadd.s32 s1, s30  }
0xbb: {  	s0 =	sor.u32 s3, s0;
	s1 =	sshll.u32 s1, $0x11  }
0xbc: {  	s0 =	sor.u32 s1, s0  }
0xbd: {  	s0 =	sadd.s32 $0x8F2B, s0  }
0xbe: {  	[sflag:s0] =	ssyncadd.remote.s32 $0x1  }
0xbf: {  	_ =	sfence.sel $0xFFFF  }
0xc0: {  	[dreg:$0x0] =	wrdreg $0xFFFFFFFF;
	(pc) =	sbr.abs _section_cstart, $3  }
0xc1: {  	[dreg:$0x1] =	wrdreg $0xFFFFFFFF  }
0xc2: {  	_ =	task.clear_ibuf [dreg:s7], $0x2FFFF;
	_ =	strace $0x9FFFFFFF  }
0xc3: {  	(tm) =	ssettm $0x7FFFFFFF  }
tec
execute0_lowered:
.L_overlay_start_1:
0x0: {  	(tag) =	ssettag $0x1  }
0x1: {  	s6 =	rddreg [dreg:$0x0]  }
0x2: {  	s7 =	rddreg [dreg:$0x1]  }
0x3: {  	s0 =	srdreg.scid;
	s2 =	rddreg [dreg:$0x2];
	s3 =	simm.s32 $0x0  }
0x4: {  	s14 =	simm.s32 $0x80;
	s15 =	simm.s32 $0x5000;
	s16 =	simm.s32 $0x1  }
0x5: {  	s17 =	simm.s32 $0x2;
	s5 =	sand.u32 $0x1, s0;
	s0 =	stileid.u32  }
0x6: {  	s18 =	simm.s32 $0x0;
	[smem:$0x7FF] =	sst s3;
	s9 =	smul.u32 $0x140000, s5  }
0x7: {  	s4 =	sadd.s32 $0x3EE00, s6;
	s1 =	sshll.u32 s5, $0x4;
	s10 =	smul.u32 $0x14000, s0  }
0x8: {  	s29 =	ssub.s32 $0x2, s5;
	s12 =	smul.u32 $0x50000, s0;
	s5 =	sadd.s32 $0x2E00, s6  }
0x9: {  	s31 =	sshll.u32 s0, $0x6;
	s1 =	sor.u32 s0, s1;
	s13 =	sshrl.u32 s29, $0x1  }
0xa: {  	s8 =	smul.u32 $0x500, s1;
	s1 =	rddreg [dreg:$0x3];
	_ =	strace $0x8000004D  }
0xb: {  	s9 =	sadd.s32 s10, s9;
	s10 =	ssub.s32 s29, s13;
	s12 =	sshrl.u32 s12, $0x2  }
0xc: {  	s9 =	sshrl.u32 s9, $0x3;
	s30 =	sadd.s32 s12, s2;
	s12 =	sor.u32 $0x1C03, s31  }
0xd: {  	s11 =	sadd.s32 s8, s6;
	s9 =	sadd.s32 s9, s6;
	s7 =	sadd.s32 s7, s8  }
0xe: {  	s13 =	sshrl.u32 s30, $0x3;
	s6 =	sadd.s32 $0xCE00, s11;
	s8 =	sadd.s32 $0x66E00, s9  }
0xf: {  	s9 =	smax.u32 s10, $0x1;
	s10 =	simm.s32 $0x3;
	s11 =	simm.s32 $0x2800  }
.LBB2_1:
0x10: {  	[tilespmem:s3], [sflag:$0x3] =	stream.linear.gather [hbm4b:s6+s3], $0x2800, $0x38;
	[tilespmem:$0x1D000] =	vst v63  }
0x11: {  	_ =	swait.ge [sflag:s10], $0x2800  }
0x12: {  	[sflag:s10] =	ssyncset.done $0x0  }
0x13: {  	[sflag:s10] =	ssyncadd.s32 $0xFFFFD800  }
0x14: {  	[tilespmem:s11], [sflag:$0x3] =	stream.linear.gather [hbm4b:s7+s3], $0x2800, $0x38;
	[tilespmem:$0x1D000] =	vst v63  }
0x15: {  	_ =	swait.ge [sflag:s10], $0x2800  }
0x16: {  	[sflag:s10] =	ssyncset.done $0x0  }
0x17: {  	[sflag:s10] =	ssyncadd.s32 $0xFFFFD800  }
0x18: {  	[spmem:s13], [sflag:s12] =	dma.local [hbm:s5], $0x2800  }
0x19: {  	_ =	swait.ge [sflag:s10], $0x2800  }
0x1a: {  	[sflag:s10] =	ssyncset.done $0x0  }
0x1b: {  	[sflag:s10] =	ssyncadd.s32 $0xFFFFD800  }
0x1c: {  	s19 =	simm.s32 $0x0;
	[bflag:$0x0] =	sbarrier.arrive $0xFFFF  }
0x1d: {  	[tilespmem:s15], [sflag:$0x1] =	stream.indirect.gather [hbm4b:s4+s14], $0x80, s19, s14, $0xb8;
	[tilespmem:$0x1D000] =	vst v63  }
0x1e: {  	_ =	swait.ge [sflag:s16], $0x4000  }
0x1f: {  	[sflag:s16] =	ssyncset.done $0x0  }
0x20: {  	s31 =	simm.s32 $0x2800;
	[sflag:s16] =	ssyncadd.s32 $0xFFFFC000  }
0x21: {  	[spmem:s2] =	stream.indirect.scatter.add.f32 [tilespmem:s15], [sflag:$0x2], $0x80, s31, s14, $0xb8;
	[tilespmem:$0x1D000] =	vst v63  }
0x22: {  	_ =	swait.ge [sflag:s17], $0x4000  }
0x23: {  	s20 =	simm.s32 $0x400;
	s19 =	simm.s32 $0x200;
	[sflag:s17] =	ssyncset.done $0x0  }
.LBB2_2:
0x24: {  	s21 =	sshra.s32 s19, $0x2  }
0x25: {  	[sflag:s17] =	ssyncadd.s32 $0xFFFFC000;
	s19 =	smov.u32 s20;
	s22 =	sadd.s32 $0x200, s20  }
0x26: {  	[tilespmem:s15], [sflag:$0x1] =	stream.indirect.gather [hbm4b:s4+s14], $0x80, s21, s14, $0xb8;
	[tilespmem:$0x1D000] =	vst v63  }
0x27: {  	p0 =	sne.s32 s20, $0x9E00;
	_ =	swait.ge [sflag:s16], $0x4000  }
.Ltmp0:
0x28: {  	[sflag:s16] =	ssyncset.done $0x0;
	(pc) =	sbr.rel @p0 .LBB2_2-.Ltmp0, $4  }
0x29: {  	s20 =	sadd.s32 $0x2800, s21;
	[sflag:s16] =	ssyncadd.s32 $0xFFFFC000  }
0x2a: {  	[spmem:s2] =	stream.indirect.scatter.add.f32 [tilespmem:s15], [sflag:$0x2], $0x80, s20, s14, $0xb8;
	[tilespmem:$0x1D000] =	vst v63  }
0x2b: {  	_ =	swait.ge [sflag:s17], $0x4000  }
0x2c: {  	s20 =	smov.u32 s22;
	[sflag:s17] =	ssyncset.done $0x0  }
0x2d: {  	s19 =	sshra.s32 s19, $0x2;
	[sflag:s17] =	ssyncadd.s32 $0xFFFFC000  }
0x2e: {  	[tilespmem:s15], [sflag:$0x1] =	stream.indirect.gather [hbm4b:s4+s14], $0x80, s19, s14, $0xb8;
	[tilespmem:$0x1D000] =	vst v63  }
0x2f: {  	_ =	swait.ge [sflag:s16], $0x4000  }
0x30: {  	[sflag:s16] =	ssyncset.done $0x0  }
0x31: {  	s19 =	sadd.s32 $0x2800, s19;
	[sflag:s16] =	ssyncadd.s32 $0xFFFFC000  }
0x32: {  	[spmem:s2] =	stream.indirect.scatter.add.f32 [tilespmem:s15], [sflag:$0x2], $0x80, s19, s14, $0xb8;
	[tilespmem:$0x1D000] =	vst v63  }
0x33: {  	_ =	swait.ge [sflag:s17], $0x4000  }
0x34: {  	s18 =	sadd.s32 $0x1, s18;
	[sflag:s17] =	ssyncset.done $0x0  }
0x35: {  	p0 =	sne.s32 s18, s9;
	[sflag:s17] =	ssyncadd.s32 $0xFFFFC000  }
.Ltmp1:
0x36: {  	[bflag:$0x0] =	sbarrier.arrive $0xFFFF;
	(pc) =	sbr.rel @p0 .LBB2_1-.Ltmp1, $4  }
0x37: {  	[hbm:s8], [sflag:s12] =	dma.local [spmem:s13], $0x2800  }
0x38: {  	_ =	swait.ge [sflag:s10], $0x2800  }
0x39: {  	[sflag:s10] =	ssyncset.done $0x0  }
0x3a: {  	[sflag:s10] =	ssyncadd.s32 $0xFFFFD800  }
0x3b: {  	_ =	sfence.sel $0x180000  }
0x3c: {  	[bflag:$0x0] =	sbarrier.arrive $0xFFFF  }
0x3d: {  	p0 =	sne.s32 s0, $0x0;
	_ =	strace $0x9000004D  }
0x3e: {  	s0 =	sadd.s32 @!p0 $0x100000, s1;
	[bflag:$0x2] =	sbarrier.arrive $0xFFFF  }
0x3f: {  	[sflag:s0] =	ssyncadd.tile.s32 @!p0 $0x1;
	_ =	shalt  }
.Lfunc_end2:
_tile_overlayer_lowered:
.L_overlay_start_2:
0x40: {  	(tag) =	ssettag $0x2  }
0x41: {  	s0 =	rddreg [dreg:$0x0];
	s2 =	stileid.u32  }
0x42: {  	s1 =	rddreg [dreg:$0x1];
	p0 =	sne.s32 s2, $0x0  }
0x43: {  	s3 =	rddreg [dreg:$0x2];
	[bflag:$0x3] =	sbarrier.arrive $0xFFFF;
	s2 =	simm.s32 @!p0 $0x1C03  }
0x44: {  	[timem:s3], [sflag:s2] =	dma.local @!p0 [hbm:s0], s1  }
0x45: {  	s0 =	simm.s32 @!p0 $0x3  }
0x46: {  	_ =	swait.ge @!p0 [sflag:s0], s1  }
0x47: {  	s1 =	ssub.s32 @!p0 $0x0, s1;
	[sflag:s0] =	ssyncset.done @!p0 $0x0  }
0x48: {  	[sflag:s0] =	ssyncadd.s32 @!p0 s1  }
0x49: {  	[bflag:$0x3] =	sbarrier.arrive $0xFFFF  }
0x4a: {  	_ =	shalt  }

// kernel: kernel.8.cloned.1.call-start
scs
__scs_entry_jumppad:
0x0: {  	(pc) =	sbr.rel $0x88, $3  }
0x1: {  	(tag) =	ssettag $0x0;
	lr =	simm.s32 $0x1  }
0x2: {  	[smem:$0x3F9B] =	sst lr;
	_ =	strace $0xD0000000  }
0x3: {  	_ = 	snop  }
0x4: {  	_ = 	snop  }
0x5: {  	_ = 	snop  }
0x6: {  	_ = 	snop  }
0x7: {  	_ = 	snop  }
__scs_overlays_trampoline_lowered:
0x8: {  	[smem:$0x3FAA] =	sst s0  }
0x9: {  	[smem:$0x3FAB] =	sst s1  }
0xa: {  	[smem:$0x3FAC] =	sst s2  }
0xb: {  	[smem:$0x3FAD] =	sst s3  }
0xc: {  	[smem:$0x3FAE] =	sst s4  }
0xd: {  	[smem:$0x3FAF] =	sst s5  }
0xe: {  	[smem:$0x3FB0] =	sst s6  }
0xf: {  	[smem:$0x3FB1] =	sst s7  }
0x10: {  	[smem:$0x3FB2] =	sst s8  }
0x11: {  	[smem:$0x3FB3] =	sst s9;
	s0 =	simm.s32 @!p0 $0x0  }
0x12: {  	s1 =	sld [smem:$0x3F99];
	s0 =	simm.s32 @p0 $0x1  }
0x13: {  	[smem:$0x3FB4] =	sst s0;
	s0 =	simm.s32 @!p1 $0x0  }
0x14: {  	s2 =	sld [smem:$0x3F98];
	s0 =	simm.s32 @p1 $0x1  }
0x15: {  	[smem:$0x3FB5] =	sst s0;
	s0 =	simm.s32 @!p2 $0x0  }
0x16: {  	s3 =	sld [smem:$0x3FDB];
	s0 =	simm.s32 @p2 $0x1  }
0x17: {  	s4 =	simm.s32 $0x1BF5;
	[smem:$0x3FB7] =	sst s0  }
0x18: {  	s0 =	sld [smem:$0x3F9A];
	_ =	swait.ge [sflag:s4], $0x0  }
0x19: {  	s7 =	sld [smem:$0x3F9B]  }
0x1a: {  	s8 =	sadd.s32 $0xFFFFE003, lr  }
0x1b: {  	s9 =	sadd.s32 $0xFFFFFEF7, lr;
	s5 =	simm.s32 $0xFFFFFFFF;
	p2 =	slt.u32 s8, $0xFFFFF086  }
0x1c: {  	p1 =	slt.u32 s9, $0xF7A;
	s5 =	simm.s32 @!p2 $0x0  }
0x1d: {  	s5 =	simm.s32 @p1 $0x1;
	p0 =	seq.s32 s7, s2  }
0x1e: {  	s7 =	smul.u32 @!p0 $0xF7A, s2;
	p2 =	seq.s32 @!p0 s5, $0x0  }
0x1f: {  	s9 =	smul.u32 $0xF7A, s1;
	s8 =	simm.s32 @!p0 $0x1BF5;
	p2 =	por !p2, p0  }
0x20: {  	[sflag:s8] =	ssyncset.s32 @!p0 $0xFFFFF086;
	s6 =	sadd.s32 @!p0 s3, s7;
	s7 =	simm.s32 @!p0 $0x108  }
0x21: {  	s3 =	sadd.s32 s3, s9;
	s6 =	sadd.s32 @!p0 $0x88, s6;
	s7 =	simm.s32 @p2 $0x1082  }
0x22: {  	[simem:s7], [sflag:s8] =	dma.local @!p0 [hbm:s6], $0xF7A  }
0x23: {  	s9 =	sor.u32 $0xD0000000, s2;
	s6 =	simm.s32 $0x108;
	_ =	swait.ge @!p0 [sflag:s8], $0x0  }
0x24: {  	s3 =	sadd.s32 $0x88, s3;
	s6 =	simm.s32 @!p1 $0x1082;
	[sflag:s4] =	ssyncset.s32 $0xFFFFF086  }
0x25: {  	[simem:s6], [sflag:s4] =	dma.local [hbm:s3], $0xF7A  }
0x26: {  	[smem:$0x3F9B] =	sst s1;
	(tag) =	ssettag s2;
	_ =	strace s9  }
0x27: {  	s1 =	sld [smem:$0x3FAB]  }
0x28: {  	s2 =	sld [smem:$0x3FAC]  }
0x29: {  	s4 =	sld [smem:$0x3FAE]  }
0x2a: {  	p0 =	seq.s32 s5, $0x0;
	s5 =	sld [smem:$0x3FAF]  }
0x2b: {  	s6 =	sld [smem:$0x3FB0]  }
0x2c: {  	s7 =	sld [smem:$0x3FB1]  }
0x2d: {  	s3 =	simm.s32 $0x108;
	s8 =	sld [smem:$0x3FB2]  }
0x2e: {  	s3 =	simm.s32 @!p0 $0x1082;
	s9 =	sld [smem:$0x3FB3]  }
0x2f: {  	lr =	sadd.s32 s0, s3;
	s0 =	sld [smem:$0x3FAA]  }
0x30: {  	s3 =	sld [smem:$0x3FAD]  }
0x31: {  	[smem:$0x3FB6] =	sst s10  }
0x32: {  	s10 =	sld [smem:$0x3FB4];
	_ =	sdelay $0x3  }
0x33: {  	p0 =	seq.s32 s10, $0x1;
	s10 =	sld [smem:$0x3FB6];
	_ =	sdelay $0x3  }
0x34: {  	[smem:$0x3FB6] =	sst s10  }
0x35: {  	s10 =	sld [smem:$0x3FB5];
	_ =	sdelay $0x3  }
0x36: {  	p1 =	seq.s32 s10, $0x1;
	s10 =	sld [smem:$0x3FB6];
	_ =	sdelay $0x3  }
0x37: {  	[smem:$0x3FB6] =	sst s10  }
0x38: {  	s10 =	sld [smem:$0x3FB7]  }
0x39: {  	_ = 	snop;
	(pc) =	sbr.ind lr, $3  }
0x3a: {  	_ = 	snop  }
0x3b: {  	_ = 	snop  }
0x3c: {  	p2 =	seq.s32 s10, $0x1;
	s10 =	sld [smem:$0x3FB6]  }
0x3d: {  	_ =	shalt  }
0x3e: {  	_ =	shalt  }
0x3f: {  	_ =	shalt  }
0x40: {  	_ =	shalt  }
0x41: {  	_ =	shalt  }
0x42: {  	_ =	shalt  }
0x43: {  	_ =	shalt  }
0x44: {  	_ =	shalt  }
0x45: {  	_ =	shalt  }
0x46: {  	_ =	shalt  }
0x47: {  	_ =	shalt  }
0x48: {  	_ =	shalt  }
0x49: {  	_ =	shalt  }
0x4a: {  	_ =	shalt  }
0x4b: {  	_ =	shalt  }
0x4c: {  	_ =	shalt  }
0x4d: {  	_ =	shalt  }
0x4e: {  	_ =	shalt  }
0x4f: {  	_ =	shalt  }
0x50: {  	_ =	shalt  }
0x51: {  	_ =	shalt  }
0x52: {  	_ =	shalt  }
0x53: {  	_ =	shalt  }
0x54: {  	_ =	shalt  }
0x55: {  	_ =	shalt  }
0x56: {  	_ =	shalt  }
0x57: {  	_ =	shalt  }
0x58: {  	_ =	shalt  }
0x59: {  	_ =	shalt  }
0x5a: {  	_ =	shalt  }
0x5b: {  	_ =	shalt  }
0x5c: {  	_ =	shalt  }
0x5d: {  	_ =	shalt  }
0x5e: {  	_ =	shalt  }
0x5f: {  	_ =	shalt  }
0x60: {  	_ =	shalt  }
0x61: {  	_ =	shalt  }
0x62: {  	_ =	shalt  }
0x63: {  	_ =	shalt  }
0x64: {  	_ =	shalt  }
0x65: {  	_ =	shalt  }
0x66: {  	_ =	shalt  }
0x67: {  	_ =	shalt  }
0x68: {  	_ =	shalt  }
0x69: {  	_ =	shalt  }
0x6a: {  	_ =	shalt  }
0x6b: {  	_ =	shalt  }
0x6c: {  	_ =	shalt  }
0x6d: {  	_ =	shalt  }
0x6e: {  	_ =	shalt  }
0x6f: {  	_ =	shalt  }
0x70: {  	_ =	shalt  }
0x71: {  	_ =	shalt  }
0x72: {  	_ =	shalt  }
0x73: {  	_ =	shalt  }
0x74: {  	_ =	shalt  }
0x75: {  	_ =	shalt  }
0x76: {  	_ =	shalt  }
0x77: {  	_ =	shalt  }
0x78: {  	_ =	shalt  }
0x79: {  	_ =	shalt  }
0x7a: {  	_ =	shalt  }
0x7b: {  	_ =	shalt  }
0x7c: {  	_ =	shalt  }
0x7d: {  	_ =	shalt  }
0x7e: {  	_ =	shalt  }
0x7f: {  	_ =	shalt  }
0x80: {  	_ =	shalt  }
0x81: {  	_ =	shalt  }
0x82: {  	_ =	shalt  }
0x83: {  	_ =	shalt  }
0x84: {  	_ =	shalt  }
0x85: {  	_ =	shalt  }
0x86: {  	_ =	shalt  }
0x87: {  	_ =	shalt  }
.Lfunc_end0:
.L_simem_size_0:
called_computation_lowered:
.L_overlay_start_0:
0x88: {  	s2 =	sld [smem:$0x3FD9]  }
0x89: {  	s3 =	sld [smem:$0x3FFE];
	_ =	sdelay $0x1  }
0x8a: {  	s1 =	srdreg.scid  }
0x8b: {  	s0 =	sand.u32 $0x1, s1  }
0x8c: {  	s17 =	sshll.u32 s0, $0xA;
	s2 =	sadd.s32 s3, s2  }
0x8d: {  	s2 =	sadd.s32 s2, s17  }
0x8e: {  	[smem:$0x3FC2] =	sst s2  }
0x8f: {  	_ = 	snop  }
0x90: {  	s2 =	sld [smem:$0x3FD0];
	(tm) =	ssettm $0x1  }
0x91: {  	s18 =	sld [smem:$0x3FFB];
	_ =	sdelay $0x3  }
0x92: {  	_ =	strace s18  }
0x93: {  	s3 =	sld [smem:$0x3FFC];
	_ =	sdelay $0x3  }
0x94: {  	_ =	strace s3  }
0x95: {  	s3 =	sld [smem:$0x3FFD];
	_ =	sdelay $0x3  }
0x96: {  	_ =	strace s3  }
0x97: {  	_ =	strace $0x8FFFFFFF  }
0x98: {  	s19 =	sld [smem:$0x3FDB];
	_ =	sdelay $0x1  }
0x99: {  	s4 =	simm.s32 $_scs_section_size  }
0x9a: {  	s5 =	simm.s32 $_size__tile_overlayer_lowered;
	s6 =	simm.s32 $_tile_overlayer_lowered  }
0x9b: {  	s22 =	simm.s32 $0x1BFF;
	s21 =	sshll.u32 s6, $0x1;
	s3 =	sadd.s32 s4, s19  }
0x9c: {  	s7 =	simm.s32 $0x0;
	s20 =	sshll.u32 s5, $0x1;
	s5 =	sadd.s32 s21, s3  }
0x9d: {  	[timem:s7], [sflag:s22] =	dma.local [hbm:s5], s20  }
0x9e: {  	_ =	swait.ge [sflag:s22], s20  }
0x9f: {  	s4 =	ssub.s32 $0x0, s20;
	[sflag:s22] =	ssyncset.done $0x0  }
0xa0: {  	[sflag:s22] =	ssyncadd.s32 s4;
	_ =	sdelay $0x1  }
0xa1: {  	s23 =	simm.s32 $0x1B8B  }
0xa2: {  	_ =	swait.ge [sflag:s23], $0x1  }
0xa3: {  	[sflag:s23] =	ssyncset.done $0x0  }
0xa4: {  	s25 =	simm.s32 $0x1B8E;
	s24 =	sld [smem:$0x3FFE];
	[sflag:s23] =	ssyncadd.s32 $0xFFFFFFFF  }
0xa5: {  	s26 =	simm.s32 $execute0_lowered;
	[smem:$0x3FD2] =	sst s25  }
0xa6: {  	s5 =	sshll.u32 s26, $0x1;
	_ =	strace $0x80000046;
	[dreg:$0x1] =	wrdreg $0xFFFFFFFF  }
0xa7: {  	s28 =	simm.s32 $_size_execute0_lowered;
	s3 =	sadd.s32 s3, s5;
	[dreg:$0x0] =	wrdreg $0x0  }
0xa8: {  	s5 =	sshll.u32 s28, $0x1;
	[dreg:$0x2] =	wrdreg s3  }
0xa9: {  	[dreg:$0x3] =	wrdreg s5  }
0xaa: {  	[dreg:$0x4] =	wrdreg $0xC0  }
0xab: {  	_ =	task [dreg:s7], $0x5FFFF  }
0xac: {  	[dreg:$0x1] =	wrdreg $0xFFFFFFFF  }
0xad: {  	[dreg:$0x0] =	wrdreg $0x60  }
0xae: {  	[dreg:$0x2] =	wrdreg s2  }
0xaf: {  	[dreg:$0x3] =	wrdreg s24  }
0xb0: {  	[dreg:$0x4] =	wrdreg $0x9  }
0xb1: {  	_ =	task.clear_ibuf [dreg:s7], $0x5FFFF;
	_ =	strace $0x90000046  }
0xb2: {  	s29 =	simm.s32 $0x9;
	_ =	strace $0x80000048  }
0xb3: {  	_ =	swait.ge [sflag:s29], $0x1  }
0xb4: {  	[sflag:s29] =	ssyncadd.s32 $0xFFFFFFFF  }
0xb5: {  	_ =	strace $0x90000048  }
0xb6: {  	_ =	sfence  }
0xb7: {  	s30 =	sld [smem:$0x0];
	_ =	sdelay $0x2  }
0xb8: {  	s31 =	sshll.u32 s1, $0xD;
	s1 =	sshrl.u32 s1, $0x2  }
0xb9: {  	s3 =	sand.u32 $0x4000, s31;
	s1 =	sadd.s32 s1, s30  }
0xba: {  	s0 =	sor.u32 s3, s0;
	s1 =	sshll.u32 s1, $0x11  }
0xbb: {  	s0 =	sor.u32 s1, s0  }
0xbc: {  	s0 =	sadd.s32 $0x8F2B, s0  }
0xbd: {  	[sflag:s0] =	ssyncadd.remote.s32 $0x1  }
0xbe: {  	_ =	sfence.sel $0xFFFF  }
0xbf: {  	[dreg:$0x0] =	wrdreg $0xFFFFFFFF;
	(pc) =	sbr.abs _section_cstart, $3  }
0xc0: {  	[dreg:$0x1] =	wrdreg $0xFFFFFFFF  }
0xc1: {  	_ =	task.clear_ibuf [dreg:s7], $0x2FFFF;
	_ =	strace $0x9FFFFFFF  }
0xc2: {  	(tm) =	ssettm $0x7FFFFFFF  }
0xc3: {  	_ =	shalt  }
tec
execute0_lowered:
.L_overlay_start_1:
0x0: {  	(tag) =	ssettag $0x1  }
0x1: {  	s0 =	srdreg.scid  }
0x2: {  	s3 =	sand.u32 $0x1, s0  }
0x3: {  	s0 =	stileid.u32;
	s1 =	sshll.u32 s3, $0x4  }
0x4: {  	s5 =	rddreg [dreg:$0x0];
	s4 =	sor.u32 s0, s1  }
0x5: {  	s6 =	rddreg [dreg:$0x1];
	s2 =	simm.s32 $0x0;
	s1 =	sshrl.u32 s4, $0x3  }
0x6: {  	s9 =	simm.s32 $0x400;
	s8 =	sshll.u32 s0, $0x7;
	s7 =	smul.u32 $0x14000, s1  }
0x7: {  	s10 =	simm.s32 $0x0;
	s3 =	ssub.s32 $0x2, s3;
	s8 =	sand.u32 $0x380, s8  }
0x8: {  	[smem:$0x7FF] =	sst s2;
	s31 =	sshrl.u32 s3, $0x1;
	s7 =	sor.u32 s8, s7  }
0x9: {  	s4 =	smul.u32 $0x500, s4;
	s1 =	rddreg [dreg:$0x2];
	s7 =	sshrl.u32 s7, $0x3  }
0xa: {  	_ =	strace $0x80000047;
	s8 =	simm.s32 $0x80;
	s6 =	sadd.s32 s7, s6  }
0xb: {  	s7 =	ssub.s32 s3, s31;
	s3 =	sadd.s32 s5, s4;
	s4 =	sadd.s32 $0x2E00, s6  }
0xc: {  	v0 =	vimm.f32 $0.0e+00;
	v1 =	vimm.f32 $1.000000000e+00;
	s5 =	smax.u32 s7, $0x1;
	s6 =	simm.s32 $0x1;
	s7 =	simm.s32 $0x2800  }
.LBB2_1:
0xd: {  	[tilespmem:s2], [sflag:$0x1] =	stream.linear.gather [hbm4b:s3+s2], $0x2800, $0x38;
	[tilespmem:$0x5000] =	vst v63  }
0xe: {  	_ =	swait.ge [sflag:s6], $0x2800  }
0xf: {  	[sflag:s6] =	ssyncset.done $0x0  }
0x10: {  	s11 =	simm.s32 $0x0;
	[sflag:s6] =	ssyncadd.s32 $0xFFFFD800  }
.LBB2_2:
0x11: {  	p0 =	sne.s32 s11, $0x9FC0  }
.Ltmp0:
0x12: {  	_ = 	snop;
	(pc) =	sbr.rel @p0 .LBB2_2-.Ltmp0, $3  }
0x13: {  	_ =	sdelay $0x1  }
0x14: {  	s12 =	sshra.s32 s11, $0x2  }
0x15: {  	s11 =	sadd.s32 $0x40, s11;
	[tilespmem:s12+$0x2800] =	vst v0  }
0x16: {  	s11 =	simm.s32 $0x0  }
0x17: {  	s12 =	sand.u32 $0xFE00, s11  }
0x18: {  	s11 =	sand.u32 $0x70, s11;
	s12 =	sshrl.u32 s12, $0x2  }
0x19: {  	s11 =	sor.u32 s11, s12  }
0x1a: {  	v2 =	vld [tilespmem:s11+$0x0];
	_ =	sdelay $0x4  }
0x1b: {  	s13 =	simm.s32 $0x40  }
0x1c: {  	s13 =	sand.u32 $0xFE00, s13;
	s12 =	simm.s32 $0x80;
	s11 =	simm.s32 $0x10  }
.LBB2_4:
0x1d: {  	p0 =	sne.s32 s12, $0x9FC0;
	s14 =	sand.u32 $0x70, s11;
	s13 =	sshrl.u32 s13, $0x2  }
0x1e: {  	s13 =	sor.u32 s14, s13;
	[tilespmem:v2+s7+$0x0] =	vst.idx.add.f32.msk $0xffff, v1  }
0x1f: {  	v2 =	vld [tilespmem:s13+$0x0];
	_ =	sdelay $0x1  }
.Ltmp1:
0x20: {  	(pc) =	sbr.rel @p0 .LBB2_4-.Ltmp1, $2  }
0x21: {  	_ =	sdelay $0x2  }
0x22: {  	s11 =	sadd.s32 $0x10, s11;
	s13 =	sand.u32 $0xFE00, s12;
	s12 =	sadd.s32 $0x40, s12  }
0x23: {  	_ =	sdelay $0x2  }
0x24: {  	s11 =	sand.u32 $0x70, s11;
	s12 =	sshrl.u32 s13, $0x2  }
0x25: {  	[tilespmem:v2+s7+$0x0] =	vst.idx.add.f32.msk $0xffff, v1;
	s11 =	sor.u32 s11, s12  }
0x26: {  	v2 =	vld [tilespmem:s11+$0x0];
	_ =	sdelay $0x5  }
0x27: {  	s10 =	sadd.s32 $0x1, s10  }
0x28: {  	p0 =	sne.s32 s10, s5  }
.Ltmp2:
0x29: {  	[tilespmem:v2+s7+$0x0] =	vst.idx.add.f32.msk $0xffff, v1;
	(pc) =	sbr.rel @p0 .LBB2_1-.Ltmp2, $4  }
0x2a: {  	[hbm4b:s4+s8] =	stream.strided.scatter [tilespmem:s7], [sflag:$0x1], $0x2800, s9, s8, $0x38;
	[tilespmem:$0x5000] =	vst v63  }
0x2b: {  	_ =	swait.ge [sflag:s6], $0x2800  }
0x2c: {  	[sflag:s6] =	ssyncset.done $0x0  }
0x2d: {  	[sflag:s6] =	ssyncadd.s32 $0xFFFFD800  }
0x2e: {  	_ =	sfence.sel $0x180000  }
0x2f: {  	[bflag:$0x0] =	sbarrier.arrive $0xFFFF  }
0x30: {  	p0 =	sne.s32 s0, $0x0;
	_ =	strace $0x90000047  }
0x31: {  	s0 =	sadd.s32 @!p0 $0x100000, s1;
	[bflag:$0x2] =	sbarrier.arrive $0xFFFF  }
0x32: {  	[sflag:s0] =	ssyncadd.tile.s32 @!p0 $0x1;
	_ =	shalt  }
.Lfunc_end2:
_tile_overlayer_lowered:
.L_overlay_start_2:
0x33: {  	(tag) =	ssettag $0x2  }
0x34: {  	s0 =	rddreg [dreg:$0x0];
	s2 =	stileid.u32  }
0x35: {  	s1 =	rddreg [dreg:$0x1];
	p0 =	sne.s32 s2, $0x0  }
0x36: {  	s3 =	rddreg [dreg:$0x2];
	[bflag:$0x3] =	sbarrier.arrive $0xFFFF;
	s2 =	simm.s32 @!p0 $0x1C01  }
0x37: {  	[timem:s3], [sflag:s2] =	dma.local @!p0 [hbm:s0], s1  }
0x38: {  	s0 =	simm.s32 @!p0 $0x1  }
0x39: {  	_ =	swait.ge @!p0 [sflag:s0], s1  }
0x3a: {  	s1 =	ssub.s32 @!p0 $0x0, s1;
	[sflag:s0] =	ssyncset.done @!p0 $0x0  }
0x3b: {  	[sflag:s0] =	ssyncadd.s32 @!p0 s1  }
0x3c: {  	[bflag:$0x3] =	sbarrier.arrive $0xFFFF  }
0x3d: {  	_ =	shalt  }

</sc_bundles>
